<compile_context>
chip_gen: v7x
topology: tpu7x:2x2x1
jax: 0.10.2.dev20260603
libtpu: 0.0.44.dev20260713+nightly
codegen_flags: <defaults>
</compile_context>

<pallas_src>
import functools

import jax
import jax.numpy as jnp
from jax import lax
from jax.experimental import pallas as pl
from jax.experimental.pallas import tpu as pltpu
from jax.experimental.pallas import tpu_sc as plsc

N_NODES = 10000
D_FEAT = 128
N_EDGES = 320000

NC, NS, L = 2, 16, 16
NW = NC * NS
E_W = N_EDGES // NW
C = 80
NCHUNK = E_W // C
CPB = 25
BLOCK = C * CPB
NBLK = NCHUNK // CPB


def _body(h_hbm, src_hbm, dst_hbm, out_hbm,
          h_sh, idx_s, idx_d, rows_s, rows_d, out_v, sem_g, sem_o):
    sid = lax.axis_index("s")
    wid = sid * NC + lax.axis_index("c")
    base_w = wid * E_W

    @pl.when(sid < 10)
    def _stage_h():
        rs = pl.ds(sid * (N_NODES // 10), N_NODES // 10)
        pltpu.sync_copy(h_hbm.at[rs], h_sh.at[rs])

    def refill(blk):
        bs = pl.ds(base_w + blk * BLOCK, BLOCK)
        pltpu.sync_copy(src_hbm.at[bs], idx_s)
        pltpu.sync_copy(dst_hbm.at[bs], idx_d)

    refill(0)
    plsc.subcore_barrier()

    def fire(c):
        b = c & 1
        sl = pl.ds((c % CPB) * C, C)
        pltpu.async_copy(h_sh.at[idx_s.at[sl]], rows_s.at[b], sem_g)
        pltpu.async_copy(h_sh.at[idx_d.at[sl]], rows_d.at[b], sem_g)

    fire(0)
    lane = lax.iota(jnp.int32, L)

    def chunk_body(c, carry):
        b = c & 1

        sl = pl.ds((c % CPB) * C, C)
        pltpu.make_async_copy(h_sh.at[idx_s.at[sl]], rows_s.at[b], sem_g).wait()
        pltpu.make_async_copy(h_sh.at[idx_d.at[sl]], rows_d.at[b], sem_g).wait()

        @pl.when((c + 1 < NCHUNK) & ((c + 1) % CPB == 0))
        def _refill_next():
            refill((c + 1) // CPB)

        @pl.when(c + 1 < NCHUNK)
        def _fire_next():
            fire(c + 1)

        @pl.when(c >= 2)
        def _drain_out():
            pltpu.make_async_copy(
                out_v.at[b], out_hbm.at[pl.ds(base_w + (c - 2) * C, C)], sem_o
            ).wait()

        def group_body(g, carry2):
            def edge_body(j, r):
                e = g * L + j
                a = rows_s[b, e, pl.ds(0, L)] * rows_d[b, e, pl.ds(0, L)]
                for k in range(1, D_FEAT // L):
                    a = a + (rows_s[b, e, pl.ds(k * L, L)]
                             * rows_d[b, e, pl.ds(k * L, L)])
                return jnp.where(lane == j, jnp.sum(a), r)

            r = lax.fori_loop(0, L, edge_body, jnp.zeros((L,), jnp.float32),
                              unroll=4)
            out_v[b, pl.ds(g * L, L)] = 1.0 / (1.0 + jnp.exp(-r))
            return carry2

        lax.fori_loop(0, C // L, group_body, 0)
        pltpu.async_copy(out_v.at[b], out_hbm.at[pl.ds(base_w + c * C, C)],
                         sem_o)
        return carry

    lax.fori_loop(0, NCHUNK, chunk_body, 0)

    for cc in (NCHUNK - 2, NCHUNK - 1):
        pltpu.make_async_copy(
            out_v.at[cc & 1], out_hbm.at[pl.ds(base_w + cc * C, C)], sem_o
        ).wait()


_mesh = plsc.VectorSubcoreMesh(core_axis_name="c", subcore_axis_name="s")

_decoder = pl.kernel(
    _body,
    out_type=jax.ShapeDtypeStruct((N_EDGES,), jnp.float32),
    mesh=_mesh,
    scratch_types=[
        pltpu.VMEM_SHARED((N_NODES, D_FEAT), jnp.float32),
        pltpu.VMEM((BLOCK,), jnp.int32),
        pltpu.VMEM((BLOCK,), jnp.int32),
        pltpu.VMEM((2, C, D_FEAT), jnp.float32),
        pltpu.VMEM((2, C, D_FEAT), jnp.float32),
        pltpu.VMEM((2, C), jnp.float32),
        pltpu.SemaphoreType.DMA,
        pltpu.SemaphoreType.DMA,
    ],
    compiler_params=pltpu.CompilerParams(needs_layout_passes=False),
)


@jax.jit
def kernel(h, edge_index):
    src = edge_index[0]
    dst = edge_index[1]
    return _decoder(h, src, dst)

# --- scband reference (transcript-rebuilt; emitter-appended) ---
"""Pipeline reference for scband-dot-product-decoder-11940009083291 (READ-ONLY COPY).

The authoritative reference and input builder live on the scoring server;
editing this copy changes nothing except your own understanding.
"""

import jax, jax.numpy as jnp
import numpy as np

N_NODES = 10000
D_FEAT = 128
N_EDGES = 320000

def setup_inputs(seed: int = 0) -> dict:
    key = jax.random.key(seed)
    k1, k2 = jax.random.split(key)
    h = jax.random.normal(k1, (N_NODES, D_FEAT), dtype=jnp.float32)
    edge_index = jax.random.randint(k2, (2, N_EDGES), 0, N_NODES, dtype=jnp.int64 if jax.config.jax_enable_x64 else jnp.int32).astype(jnp.int32)
    return {"h": h, "edge_index": edge_index}

def reference(h, edge_index):
    # Gather source and destination node embeddings (SparseCore-friendly gathers)
    h_src = jnp.take(h, edge_index[0], axis=0)
    h_dst = jnp.take(h, edge_index[1], axis=0)
    edge_scores = jax.nn.sigmoid(jnp.sum(h_src * h_dst, axis=-1))
    return edge_scores

if __name__ == "__main__":
    import jax
    _d = setup_inputs()
    print(jax.jit(kernel)(*tuple(_d.values())))

</pallas_src>

<mosaic_0001>
#map = affine_map<(d0, d1) -> (0, 0)>
#map1 = affine_map<(d0, d1) -> (0)>
module attributes {stable_mosaic.version = 14 : i64} {
  func.func @_body(%arg0: i32, %arg1: i32, %arg2: memref<10000x128xf32, #tpu.memory_space<hbm>>, %arg3: memref<320000xi32, #tpu.memory_space<hbm>>, %arg4: memref<320000xi32, #tpu.memory_space<hbm>>, %arg5: memref<320000xf32, #tpu.memory_space<hbm>>, %arg6: memref<10000x128xf32, #tpu.memory_space<vmem_shared>>, %arg7: memref<2000xi32, #tpu.memory_space<vmem>>, %arg8: memref<2000xi32, #tpu.memory_space<vmem>>, %arg9: memref<2x80x128xf32, #tpu.memory_space<vmem>>, %arg10: memref<2x80x128xf32, #tpu.memory_space<vmem>>, %arg11: memref<2x80xf32, #tpu.memory_space<vmem>>, %arg12: memref<!tpu.dma_semaphore, #tpu.memory_space<semaphore_mem>>, %arg13: memref<!tpu.dma_semaphore, #tpu.memory_space<semaphore_mem>>) attributes {dimension_semantics = [#tpu.dimension_semantics<core_parallel>, #tpu.dimension_semantics<subcore_parallel>], iteration_bounds = array<i64: 2, 16>, scalar_prefetch = 0 : i64, scratch_operands = 8 : i64, tpu.core_type = #tpu.core_type<sc_vector_subcore>, window_params = [{transform_indices = #map}, {transform_indices = #map1}, {transform_indices = #map1}, {transform_indices = #map1}]} {
    %mul3A = arith.constant 2 : i32
    %mul3A_0 = arith.muli %arg1, %mul3A : i32
    %add3A = arith.addi %mul3A_0, %arg0 : i32
    %mul3A_1 = arith.constant 10000 : i32
    %mul3A_2 = arith.muli %add3A, %mul3A_1 : i32
    %lt3A = arith.constant 10 : i32
    %lt3A_3 = arith.cmpi slt, %arg1, %lt3A : i32
    %convert_element_type3A = arith.extui %lt3A_3 : i1 to i32
    %cond3A = arith.constant 0 : i32
    %cond3A_4 = arith.cmpi ne, %convert_element_type3A, %cond3A : i32
    scf.if %cond3A_4 {
      %mul3A_52 = arith.constant 1000 : i32
      %mul3A_53 = arith.muli %arg1, %mul3A_52 : i32
      "tpu.region"() ({
        %run_scoped3A = tpu.sem_alloc : memref<!tpu.dma_semaphore, #tpu.memory_space<semaphore_mem>>
        %dma_start3A_54 = arith.constant 0 : i32
        %dma_start3A_55 = tpu.memref_slice %arg6[%mul3A_53, %dma_start3A_54] : memref<10000x128xf32, #tpu.memory_space<vmem_shared>> -> memref<1000x128xf32, #tpu.memory_space<vmem_shared>>
        %dma_start3A_56 = arith.constant 0 : i32
        %dma_start3A_57 = tpu.memref_slice %arg2[%mul3A_53, %dma_start3A_56] : memref<10000x128xf32, #tpu.memory_space<hbm>> -> memref<1000x128xf32, #tpu.memory_space<hbm>>
        tpu.enqueue_dma source(%dma_start3A_57 : memref<1000x128xf32, #tpu.memory_space<hbm>>) target(%dma_start3A_55 : memref<1000x128xf32, #tpu.memory_space<vmem_shared>>) target_semaphore(%run_scoped3A : memref<!tpu.dma_semaphore, #tpu.memory_space<semaphore_mem>>)
        %dma_wait3A_58 = arith.constant 0 : i32
        %dma_wait3A_59 = tpu.memref_slice %arg6[%mul3A_53, %dma_wait3A_58] : memref<10000x128xf32, #tpu.memory_space<vmem_shared>> -> memref<1000x128xf32, #tpu.memory_space<vmem_shared>>
        %dma_wait3A_60 = arith.constant 0 : i32
        %dma_wait3A_61 = tpu.memref_slice %arg2[%mul3A_53, %dma_wait3A_60] : memref<10000x128xf32, #tpu.memory_space<hbm>> -> memref<1000x128xf32, #tpu.memory_space<hbm>>
        tpu.wait_dma2 semaphore(%run_scoped3A : memref<!tpu.dma_semaphore, #tpu.memory_space<semaphore_mem>>) src(%dma_wait3A_61 : memref<1000x128xf32, #tpu.memory_space<hbm>>) dst(%dma_wait3A_59 : memref<1000x128xf32, #tpu.memory_space<vmem_shared>>)
        tpu.yield
      }) : () -> ()
    } else {
    }
    %add3A_5 = arith.constant 0 : i32
    %add3A_6 = arith.addi %mul3A_2, %add3A_5 : i32
    "tpu.region"() ({
      %run_scoped3A = tpu.sem_alloc : memref<!tpu.dma_semaphore, #tpu.memory_space<semaphore_mem>>
      %dma_start3A_52 = tpu.memref_slice %arg3[%add3A_6] : memref<320000xi32, #tpu.memory_space<hbm>> -> memref<2000xi32, #tpu.memory_space<hbm>>
      %dma_start3A_53 = tpu.memref_slice %arg3[%add3A_6] : memref<320000xi32, #tpu.memory_space<hbm>> -> memref<2000xi32, #tpu.memory_space<hbm>>
      tpu.enqueue_dma source(%dma_start3A_53 : memref<2000xi32, #tpu.memory_space<hbm>>) target(%arg7 : memref<2000xi32, #tpu.memory_space<vmem>>) target_semaphore(%run_scoped3A : memref<!tpu.dma_semaphore, #tpu.memory_space<semaphore_mem>>)
      %dma_wait3A_54 = tpu.memref_slice %arg3[%add3A_6] : memref<320000xi32, #tpu.memory_space<hbm>> -> memref<2000xi32, #tpu.memory_space<hbm>>
      %dma_wait3A_55 = tpu.memref_slice %arg3[%add3A_6] : memref<320000xi32, #tpu.memory_space<hbm>> -> memref<2000xi32, #tpu.memory_space<hbm>>
      tpu.wait_dma2 semaphore(%run_scoped3A : memref<!tpu.dma_semaphore, #tpu.memory_space<semaphore_mem>>) src(%dma_wait3A_55 : memref<2000xi32, #tpu.memory_space<hbm>>) dst(%arg7 : memref<2000xi32, #tpu.memory_space<vmem>>)
      tpu.yield
    }) : () -> ()
    "tpu.region"() ({
      %run_scoped3A = tpu.sem_alloc : memref<!tpu.dma_semaphore, #tpu.memory_space<semaphore_mem>>
      %dma_start3A_52 = tpu.memref_slice %arg4[%add3A_6] : memref<320000xi32, #tpu.memory_space<hbm>> -> memref<2000xi32, #tpu.memory_space<hbm>>
      %dma_start3A_53 = tpu.memref_slice %arg4[%add3A_6] : memref<320000xi32, #tpu.memory_space<hbm>> -> memref<2000xi32, #tpu.memory_space<hbm>>
      tpu.enqueue_dma source(%dma_start3A_53 : memref<2000xi32, #tpu.memory_space<hbm>>) target(%arg8 : memref<2000xi32, #tpu.memory_space<vmem>>) target_semaphore(%run_scoped3A : memref<!tpu.dma_semaphore, #tpu.memory_space<semaphore_mem>>)
      %dma_wait3A_54 = tpu.memref_slice %arg4[%add3A_6] : memref<320000xi32, #tpu.memory_space<hbm>> -> memref<2000xi32, #tpu.memory_space<hbm>>
      %dma_wait3A_55 = tpu.memref_slice %arg4[%add3A_6] : memref<320000xi32, #tpu.memory_space<hbm>> -> memref<2000xi32, #tpu.memory_space<hbm>>
      tpu.wait_dma2 semaphore(%run_scoped3A : memref<!tpu.dma_semaphore, #tpu.memory_space<semaphore_mem>>) src(%dma_wait3A_55 : memref<2000xi32, #tpu.memory_space<hbm>>) dst(%arg8 : memref<2000xi32, #tpu.memory_space<vmem>>)
      tpu.yield
    }) : () -> ()
    %barrier3A = arith.constant 0 : index
    tpu.barrier barrier_id(%barrier3A)
    %dma_start3A = arith.constant 0 : i32
    %dma_start3A_7 = arith.constant 0 : i32
    %dma_start3A_8 = arith.constant 0 : i32
    %dma_start3A_9 = tpu.memref_slice %arg9[%dma_start3A, %dma_start3A_7, %dma_start3A_8] : memref<2x80x128xf32, #tpu.memory_space<vmem>> -> memref<1x80x128xf32, #tpu.memory_space<vmem>>
    %dma_start3A_10 = tpu.memref_squeeze %dma_start3A_9 : memref<1x80x128xf32, #tpu.memory_space<vmem>> -> memref<80x128xf32, #tpu.memory_space<vmem>>
    %dma_start3A_11 = arith.constant 0 : i32
    %dma_start3A_12 = tpu.memref_slice %arg7[%dma_start3A_11] : memref<2000xi32, #tpu.memory_space<vmem>> -> memref<80xi32, #tpu.memory_space<vmem>>
    %dma_start3A_13 = arith.constant 0 : i32
    %dma_start3A_14 = arith.constant 0 : i32
    %dma_start3A_15 = tpu.memref_slice %arg6[%dma_start3A_13, %dma_start3A_14] : memref<10000x128xf32, #tpu.memory_space<vmem_shared>> -> memref<10000x128xf32, #tpu.memory_space<vmem_shared>>
    tpu.enqueue_indirect_dma source(%dma_start3A_15 : memref<10000x128xf32, #tpu.memory_space<vmem_shared>>) target(%dma_start3A_10 : memref<80x128xf32, #tpu.memory_space<vmem>>) offsets(%dma_start3A_12 : memref<80xi32, #tpu.memory_space<vmem>>) semaphore(%arg12 : memref<!tpu.dma_semaphore, #tpu.memory_space<semaphore_mem>>)
    %dma_start3A_16 = arith.constant 0 : i32
    %dma_start3A_17 = arith.constant 0 : i32
    %dma_start3A_18 = arith.constant 0 : i32
    %dma_start3A_19 = tpu.memref_slice %arg10[%dma_start3A_16, %dma_start3A_17, %dma_start3A_18] : memref<2x80x128xf32, #tpu.memory_space<vmem>> -> memref<1x80x128xf32, #tpu.memory_space<vmem>>
    %dma_start3A_20 = tpu.memref_squeeze %dma_start3A_19 : memref<1x80x128xf32, #tpu.memory_space<vmem>> -> memref<80x128xf32, #tpu.memory_space<vmem>>
    %dma_start3A_21 = arith.constant 0 : i32
    %dma_start3A_22 = tpu.memref_slice %arg8[%dma_start3A_21] : memref<2000xi32, #tpu.memory_space<vmem>> -> memref<80xi32, #tpu.memory_space<vmem>>
    %dma_start3A_23 = arith.constant 0 : i32
    %dma_start3A_24 = arith.constant 0 : i32
    %dma_start3A_25 = tpu.memref_slice %arg6[%dma_start3A_23, %dma_start3A_24] : memref<10000x128xf32, #tpu.memory_space<vmem_shared>> -> memref<10000x128xf32, #tpu.memory_space<vmem_shared>>
    tpu.enqueue_indirect_dma source(%dma_start3A_25 : memref<10000x128xf32, #tpu.memory_space<vmem_shared>>) target(%dma_start3A_20 : memref<80x128xf32, #tpu.memory_space<vmem>>) offsets(%dma_start3A_22 : memref<80xi32, #tpu.memory_space<vmem>>) semaphore(%arg12 : memref<!tpu.dma_semaphore, #tpu.memory_space<semaphore_mem>>)
    %iota3A = tpu.iota {dimensions = array<i32: 0>} : vector<16xi32>
    %scan3A = arith.constant 0 : i32
    %scan3A_26 = arith.constant 0 : i32
    %scan3A_27 = arith.constant 125 : i32
    %scan3A_28 = arith.addi %scan3A_26, %scan3A_27 : i32
    %scan3A_29 = arith.constant 1 : i32
    scf.for %scan3A_52 = %scan3A_26 to %scan3A_28 step %scan3A_29  : i32 {
      %and3A = arith.constant 1 : i32
      %and3A_53 = arith.andi %scan3A_52, %and3A : i32
      %jit3A = arith.constant 25 : i32
      %eq3A = arith.constant 0 : i32
      %eq3A_54 = arith.cmpi eq, %jit3A, %eq3A : i32
      %jit3A_55 = arith.constant 1 : i32
      %select_n3A = arith.select %eq3A_54, %jit3A_55, %jit3A : i32
      %rem3A = arith.remsi %scan3A_52, %select_n3A : i32
      %ne3A = arith.constant 0 : i32
      %ne3A_56 = arith.cmpi ne, %rem3A, %ne3A : i32
      %lt3A_57 = arith.constant 0 : i32
      %lt3A_58 = arith.cmpi slt, %rem3A, %lt3A_57 : i32
      %lt3A_59 = arith.constant 0 : i32
      %lt3A_60 = arith.cmpi slt, %select_n3A, %lt3A_59 : i32
      %ne3A_61 = arith.xori %lt3A_58, %lt3A_60 : i1
      %and3A_62 = arith.andi %ne3A_61, %ne3A_56 : i1
      %add3A_63 = arith.addi %rem3A, %select_n3A : i32
      %select_n3A_64 = arith.select %and3A_62, %add3A_63, %rem3A : i32
      %mul3A_65 = arith.constant 80 : i32
      %mul3A_66 = arith.muli %select_n3A_64, %mul3A_65 : i32
      %dma_wait3A_67 = arith.constant 0 : i32
      %dma_wait3A_68 = arith.constant 0 : i32
      %dma_wait3A_69 = tpu.memref_slice %arg9[%and3A_53, %dma_wait3A_67, %dma_wait3A_68] : memref<2x80x128xf32, #tpu.memory_space<vmem>> -> memref<1x80x128xf32, #tpu.memory_space<vmem>>
      %dma_wait3A_70 = tpu.memref_squeeze %dma_wait3A_69 : memref<1x80x128xf32, #tpu.memory_space<vmem>> -> memref<80x128xf32, #tpu.memory_space<vmem>>
      %dma_wait3A_71 = tpu.memref_slice %arg7[%mul3A_66] : memref<2000xi32, #tpu.memory_space<vmem>> -> memref<80xi32, #tpu.memory_space<vmem>>
      %dma_wait3A_72 = arith.constant 0 : i32
      %dma_wait3A_73 = arith.constant 0 : i32
      %dma_wait3A_74 = tpu.memref_slice %arg6[%dma_wait3A_72, %dma_wait3A_73] : memref<10000x128xf32, #tpu.memory_space<vmem_shared>> -> memref<10000x128xf32, #tpu.memory_space<vmem_shared>>
      tpu.wait_indirect_dma semaphore(%arg12 : memref<!tpu.dma_semaphore, #tpu.memory_space<semaphore_mem>>) src(%dma_wait3A_74 : memref<10000x128xf32, #tpu.memory_space<vmem_shared>>) dst(%dma_wait3A_70 : memref<80x128xf32, #tpu.memory_space<vmem>>)
      %dma_wait3A_75 = arith.constant 0 : i32
      %dma_wait3A_76 = arith.constant 0 : i32
      %dma_wait3A_77 = tpu.memref_slice %arg10[%and3A_53, %dma_wait3A_75, %dma_wait3A_76] : memref<2x80x128xf32, #tpu.memory_space<vmem>> -> memref<1x80x128xf32, #tpu.memory_space<vmem>>
      %dma_wait3A_78 = tpu.memref_squeeze %dma_wait3A_77 : memref<1x80x128xf32, #tpu.memory_space<vmem>> -> memref<80x128xf32, #tpu.memory_space<vmem>>
      %dma_wait3A_79 = tpu.memref_slice %arg8[%mul3A_66] : memref<2000xi32, #tpu.memory_space<vmem>> -> memref<80xi32, #tpu.memory_space<vmem>>
      %dma_wait3A_80 = arith.constant 0 : i32
      %dma_wait3A_81 = arith.constant 0 : i32
      %dma_wait3A_82 = tpu.memref_slice %arg6[%dma_wait3A_80, %dma_wait3A_81] : memref<10000x128xf32, #tpu.memory_space<vmem_shared>> -> memref<10000x128xf32, #tpu.memory_space<vmem_shared>>
      tpu.wait_indirect_dma semaphore(%arg12 : memref<!tpu.dma_semaphore, #tpu.memory_space<semaphore_mem>>) src(%dma_wait3A_82 : memref<10000x128xf32, #tpu.memory_space<vmem_shared>>) dst(%dma_wait3A_78 : memref<80x128xf32, #tpu.memory_space<vmem>>)
      %add3A_83 = arith.constant 1 : i32
      %add3A_84 = arith.addi %scan3A_52, %add3A_83 : i32
      %lt3A_85 = arith.constant 125 : i32
      %lt3A_86 = arith.cmpi slt, %add3A_84, %lt3A_85 : i32
      %add3A_87 = arith.constant 1 : i32
      %add3A_88 = arith.addi %scan3A_52, %add3A_87 : i32
      %jit3A_89 = arith.constant 25 : i32
      %eq3A_90 = arith.constant 0 : i32
      %eq3A_91 = arith.cmpi eq, %jit3A_89, %eq3A_90 : i32
      %jit3A_92 = arith.constant 1 : i32
      %select_n3A_93 = arith.select %eq3A_91, %jit3A_92, %jit3A_89 : i32
      %rem3A_94 = arith.remsi %add3A_88, %select_n3A_93 : i32
      %ne3A_95 = arith.constant 0 : i32
      %ne3A_96 = arith.cmpi ne, %rem3A_94, %ne3A_95 : i32
      %lt3A_97 = arith.constant 0 : i32
      %lt3A_98 = arith.cmpi slt, %rem3A_94, %lt3A_97 : i32
      %lt3A_99 = arith.constant 0 : i32
      %lt3A_100 = arith.cmpi slt, %select_n3A_93, %lt3A_99 : i32
      %ne3A_101 = arith.xori %lt3A_98, %lt3A_100 : i1
      %and3A_102 = arith.andi %ne3A_101, %ne3A_96 : i1
      %add3A_103 = arith.addi %rem3A_94, %select_n3A_93 : i32
      %select_n3A_104 = arith.select %and3A_102, %add3A_103, %rem3A_94 : i32
      %eq3A_105 = arith.constant 0 : i32
      %eq3A_106 = arith.cmpi eq, %select_n3A_104, %eq3A_105 : i32
      %and3A_107 = arith.andi %lt3A_86, %eq3A_106 : i1
      %convert_element_type3A_108 = arith.extui %and3A_107 : i1 to i32
      %cond3A_109 = arith.constant 0 : i32
      %cond3A_110 = arith.cmpi ne, %convert_element_type3A_108, %cond3A_109 : i32
      scf.if %cond3A_110 {
        %add3A_139 = arith.constant 1 : i32
        %add3A_140 = arith.addi %scan3A_52, %add3A_139 : i32
        %jit3A_141 = arith.constant 25 : i32
        %div3A = arith.divsi %add3A_140, %jit3A_141 : i32
        %sign3A = arith.constant 0 : i32
        %sign3A_142 = arith.cmpi sgt, %add3A_140, %sign3A : i32
        %sign3A_143 = arith.extui %sign3A_142 : i1 to i32
        %sign3A_144 = arith.constant 0 : i32
        %sign3A_145 = arith.cmpi slt, %add3A_140, %sign3A_144 : i32
        %sign3A_146 = arith.extui %sign3A_145 : i1 to i32
        %sign3A_147 = arith.subi %sign3A_143, %sign3A_146 : i32
        %sign3A_148 = arith.constant 0 : i32
        %sign3A_149 = arith.cmpi sgt, %jit3A_141, %sign3A_148 : i32
        %sign3A_150 = arith.extui %sign3A_149 : i1 to i32
        %sign3A_151 = arith.constant 0 : i32
        %sign3A_152 = arith.cmpi slt, %jit3A_141, %sign3A_151 : i32
        %sign3A_153 = arith.extui %sign3A_152 : i1 to i32
        %sign3A_154 = arith.subi %sign3A_150, %sign3A_153 : i32
        %ne3A_155 = arith.cmpi ne, %sign3A_147, %sign3A_154 : i32
        %rem3A_156 = arith.remsi %add3A_140, %jit3A_141 : i32
        %ne3A_157 = arith.constant 0 : i32
        %ne3A_158 = arith.cmpi ne, %rem3A_156, %ne3A_157 : i32
        %and3A_159 = arith.andi %ne3A_155, %ne3A_158 : i1
        %sub3A = arith.constant 1 : i32
        %sub3A_160 = arith.subi %div3A, %sub3A : i32
        %select_n3A_161 = arith.select %and3A_159, %sub3A_160, %div3A : i32
        %mul3A_162 = arith.constant 2000 : i32
        %mul3A_163 = arith.muli %select_n3A_161, %mul3A_162 : i32
        %add3A_164 = arith.addi %mul3A_2, %mul3A_163 : i32
        "tpu.region"() ({
          %run_scoped3A = tpu.sem_alloc : memref<!tpu.dma_semaphore, #tpu.memory_space<semaphore_mem>>
          %dma_start3A_165 = tpu.memref_slice %arg3[%add3A_164] : memref<320000xi32, #tpu.memory_space<hbm>> -> memref<2000xi32, #tpu.memory_space<hbm>>
          %dma_start3A_166 = tpu.memref_slice %arg3[%add3A_164] : memref<320000xi32, #tpu.memory_space<hbm>> -> memref<2000xi32, #tpu.memory_space<hbm>>
          tpu.enqueue_dma source(%dma_start3A_166 : memref<2000xi32, #tpu.memory_space<hbm>>) target(%arg7 : memref<2000xi32, #tpu.memory_space<vmem>>) target_semaphore(%run_scoped3A : memref<!tpu.dma_semaphore, #tpu.memory_space<semaphore_mem>>)
          %dma_wait3A_167 = tpu.memref_slice %arg3[%add3A_164] : memref<320000xi32, #tpu.memory_space<hbm>> -> memref<2000xi32, #tpu.memory_space<hbm>>
          %dma_wait3A_168 = tpu.memref_slice %arg3[%add3A_164] : memref<320000xi32, #tpu.memory_space<hbm>> -> memref<2000xi32, #tpu.memory_space<hbm>>
          tpu.wait_dma2 semaphore(%run_scoped3A : memref<!tpu.dma_semaphore, #tpu.memory_space<semaphore_mem>>) src(%dma_wait3A_168 : memref<2000xi32, #tpu.memory_space<hbm>>) dst(%arg7 : memref<2000xi32, #tpu.memory_space<vmem>>)
          tpu.yield
        }) : () -> ()
        "tpu.region"() ({
          %run_scoped3A = tpu.sem_alloc : memref<!tpu.dma_semaphore, #tpu.memory_space<semaphore_mem>>
          %dma_start3A_165 = tpu.memref_slice %arg4[%add3A_164] : memref<320000xi32, #tpu.memory_space<hbm>> -> memref<2000xi32, #tpu.memory_space<hbm>>
          %dma_start3A_166 = tpu.memref_slice %arg4[%add3A_164] : memref<320000xi32, #tpu.memory_space<hbm>> -> memref<2000xi32, #tpu.memory_space<hbm>>
          tpu.enqueue_dma source(%dma_start3A_166 : memref<2000xi32, #tpu.memory_space<hbm>>) target(%arg8 : memref<2000xi32, #tpu.memory_space<vmem>>) target_semaphore(%run_scoped3A : memref<!tpu.dma_semaphore, #tpu.memory_space<semaphore_mem>>)
          %dma_wait3A_167 = tpu.memref_slice %arg4[%add3A_164] : memref<320000xi32, #tpu.memory_space<hbm>> -> memref<2000xi32, #tpu.memory_space<hbm>>
          %dma_wait3A_168 = tpu.memref_slice %arg4[%add3A_164] : memref<320000xi32, #tpu.memory_space<hbm>> -> memref<2000xi32, #tpu.memory_space<hbm>>
          tpu.wait_dma2 semaphore(%run_scoped3A : memref<!tpu.dma_semaphore, #tpu.memory_space<semaphore_mem>>) src(%dma_wait3A_168 : memref<2000xi32, #tpu.memory_space<hbm>>) dst(%arg8 : memref<2000xi32, #tpu.memory_space<vmem>>)
          tpu.yield
        }) : () -> ()
      } else {
      }
      %add3A_111 = arith.constant 1 : i32
      %add3A_112 = arith.addi %scan3A_52, %add3A_111 : i32
      %lt3A_113 = arith.constant 125 : i32
      %lt3A_114 = arith.cmpi slt, %add3A_112, %lt3A_113 : i32
      %convert_element_type3A_115 = arith.extui %lt3A_114 : i1 to i32
      %cond3A_116 = arith.constant 0 : i32
      %cond3A_117 = arith.cmpi ne, %convert_element_type3A_115, %cond3A_116 : i32
      scf.if %cond3A_117 {
        %add3A_139 = arith.constant 1 : i32
        %add3A_140 = arith.addi %scan3A_52, %add3A_139 : i32
        %and3A_141 = arith.constant 1 : i32
        %and3A_142 = arith.andi %add3A_140, %and3A_141 : i32
        %jit3A_143 = arith.constant 25 : i32
        %eq3A_144 = arith.constant 0 : i32
        %eq3A_145 = arith.cmpi eq, %jit3A_143, %eq3A_144 : i32
        %jit3A_146 = arith.constant 1 : i32
        %select_n3A_147 = arith.select %eq3A_145, %jit3A_146, %jit3A_143 : i32
        %rem3A_148 = arith.remsi %add3A_140, %select_n3A_147 : i32
        %ne3A_149 = arith.constant 0 : i32
        %ne3A_150 = arith.cmpi ne, %rem3A_148, %ne3A_149 : i32
        %lt3A_151 = arith.constant 0 : i32
        %lt3A_152 = arith.cmpi slt, %rem3A_148, %lt3A_151 : i32
        %lt3A_153 = arith.constant 0 : i32
        %lt3A_154 = arith.cmpi slt, %select_n3A_147, %lt3A_153 : i32
        %ne3A_155 = arith.xori %lt3A_152, %lt3A_154 : i1
        %and3A_156 = arith.andi %ne3A_155, %ne3A_150 : i1
        %add3A_157 = arith.addi %rem3A_148, %select_n3A_147 : i32
        %select_n3A_158 = arith.select %and3A_156, %add3A_157, %rem3A_148 : i32
        %mul3A_159 = arith.constant 80 : i32
        %mul3A_160 = arith.muli %select_n3A_158, %mul3A_159 : i32
        %dma_start3A_161 = arith.constant 0 : i32
        %dma_start3A_162 = arith.constant 0 : i32
        %dma_start3A_163 = tpu.memref_slice %arg9[%and3A_142, %dma_start3A_161, %dma_start3A_162] : memref<2x80x128xf32, #tpu.memory_space<vmem>> -> memref<1x80x128xf32, #tpu.memory_space<vmem>>
        %dma_start3A_164 = tpu.memref_squeeze %dma_start3A_163 : memref<1x80x128xf32, #tpu.memory_space<vmem>> -> memref<80x128xf32, #tpu.memory_space<vmem>>
        %dma_start3A_165 = tpu.memref_slice %arg7[%mul3A_160] : memref<2000xi32, #tpu.memory_space<vmem>> -> memref<80xi32, #tpu.memory_space<vmem>>
        %dma_start3A_166 = arith.constant 0 : i32
        %dma_start3A_167 = arith.constant 0 : i32
        %dma_start3A_168 = tpu.memref_slice %arg6[%dma_start3A_166, %dma_start3A_167] : memref<10000x128xf32, #tpu.memory_space<vmem_shared>> -> memref<10000x128xf32, #tpu.memory_space<vmem_shared>>
        tpu.enqueue_indirect_dma source(%dma_start3A_168 : memref<10000x128xf32, #tpu.memory_space<vmem_shared>>) target(%dma_start3A_164 : memref<80x128xf32, #tpu.memory_space<vmem>>) offsets(%dma_start3A_165 : memref<80xi32, #tpu.memory_space<vmem>>) semaphore(%arg12 : memref<!tpu.dma_semaphore, #tpu.memory_space<semaphore_mem>>)
        %dma_start3A_169 = arith.constant 0 : i32
        %dma_start3A_170 = arith.constant 0 : i32
        %dma_start3A_171 = tpu.memref_slice %arg10[%and3A_142, %dma_start3A_169, %dma_start3A_170] : memref<2x80x128xf32, #tpu.memory_space<vmem>> -> memref<1x80x128xf32, #tpu.memory_space<vmem>>
        %dma_start3A_172 = tpu.memref_squeeze %dma_start3A_171 : memref<1x80x128xf32, #tpu.memory_space<vmem>> -> memref<80x128xf32, #tpu.memory_space<vmem>>
        %dma_start3A_173 = tpu.memref_slice %arg8[%mul3A_160] : memref<2000xi32, #tpu.memory_space<vmem>> -> memref<80xi32, #tpu.memory_space<vmem>>
        %dma_start3A_174 = arith.constant 0 : i32
        %dma_start3A_175 = arith.constant 0 : i32
        %dma_start3A_176 = tpu.memref_slice %arg6[%dma_start3A_174, %dma_start3A_175] : memref<10000x128xf32, #tpu.memory_space<vmem_shared>> -> memref<10000x128xf32, #tpu.memory_space<vmem_shared>>
        tpu.enqueue_indirect_dma source(%dma_start3A_176 : memref<10000x128xf32, #tpu.memory_space<vmem_shared>>) target(%dma_start3A_172 : memref<80x128xf32, #tpu.memory_space<vmem>>) offsets(%dma_start3A_173 : memref<80xi32, #tpu.memory_space<vmem>>) semaphore(%arg12 : memref<!tpu.dma_semaphore, #tpu.memory_space<semaphore_mem>>)
      } else {
      }
      %ge3A = arith.constant 2 : i32
      %ge3A_118 = arith.cmpi sge, %scan3A_52, %ge3A : i32
      %convert_element_type3A_119 = arith.extui %ge3A_118 : i1 to i32
      %cond3A_120 = arith.constant 0 : i32
      %cond3A_121 = arith.cmpi ne, %convert_element_type3A_119, %cond3A_120 : i32
      scf.if %cond3A_121 {
        %sub3A = arith.constant 2 : i32
        %sub3A_139 = arith.subi %scan3A_52, %sub3A : i32
        %mul3A_140 = arith.constant 80 : i32
        %mul3A_141 = arith.muli %sub3A_139, %mul3A_140 : i32
        %add3A_142 = arith.addi %mul3A_2, %mul3A_141 : i32
        %dma_wait3A_143 = arith.constant 0 : i32
        %dma_wait3A_144 = tpu.memref_slice %arg11[%and3A_53, %dma_wait3A_143] : memref<2x80xf32, #tpu.memory_space<vmem>> -> memref<1x80xf32, #tpu.memory_space<vmem>>
        %dma_wait3A_145 = tpu.memref_squeeze %dma_wait3A_144 : memref<1x80xf32, #tpu.memory_space<vmem>> -> memref<80xf32, #tpu.memory_space<vmem>>
        %dma_wait3A_146 = tpu.memref_slice %arg5[%add3A_142] : memref<320000xf32, #tpu.memory_space<hbm>> -> memref<80xf32, #tpu.memory_space<hbm>>
        %dma_wait3A_147 = tpu.memref_slice %arg5[%add3A_142] : memref<320000xf32, #tpu.memory_space<hbm>> -> memref<80xf32, #tpu.memory_space<hbm>>
        %dma_wait3A_148 = arith.constant 0 : i32
        %dma_wait3A_149 = tpu.memref_slice %arg11[%and3A_53, %dma_wait3A_148] : memref<2x80xf32, #tpu.memory_space<vmem>> -> memref<1x80xf32, #tpu.memory_space<vmem>>
        %dma_wait3A_150 = tpu.memref_squeeze %dma_wait3A_149 : memref<1x80xf32, #tpu.memory_space<vmem>> -> memref<80xf32, #tpu.memory_space<vmem>>
        tpu.wait_dma2 semaphore(%arg13 : memref<!tpu.dma_semaphore, #tpu.memory_space<semaphore_mem>>) src(%dma_wait3A_150 : memref<80xf32, #tpu.memory_space<vmem>>) dst(%dma_wait3A_147 : memref<80xf32, #tpu.memory_space<hbm>>)
      } else {
      }
      %scan3A_122 = arith.constant 0 : i32
      %scan3A_123 = arith.constant 0 : i32
      %scan3A_124 = arith.constant 5 : i32
      %scan3A_125 = arith.addi %scan3A_123, %scan3A_124 : i32
      %scan3A_126 = arith.constant 1 : i32
      scf.for %scan3A_139 = %scan3A_123 to %scan3A_125 step %scan3A_126  : i32 {
        %broadcast_in_dim3A = arith.constant 0.000000e+00 : f32
        %broadcast_in_dim3A_140 = vector.broadcast %broadcast_in_dim3A : f32 to vector<16xf32>
        %scan3A_141 = arith.constant 0 : i32
        %scan3A_142 = arith.constant 16 : i32
        %scan3A_143 = arith.addi %scan3A_141, %scan3A_142 : i32
        %scan3A_144 = arith.constant 4 : i32
        %scan3A_145 = scf.for %scan3A_158 = %scan3A_141 to %scan3A_143 step %scan3A_144 iter_args(%scan3A_159 = %broadcast_in_dim3A_140) -> (vector<16xf32>)  : i32 {
          %mul3A_160 = arith.constant 16 : i32
          %mul3A_161 = arith.muli %scan3A_139, %mul3A_160 : i32
          %add3A_162 = arith.addi %mul3A_161, %scan3A_158 : i32
          %get3A = arith.index_cast %and3A_53 : i32 to index
          %get3A_163 = arith.index_cast %add3A_162 : i32 to index
          %get3A_164 = arith.constant 0 : index
          %get3A_165 = tpu.vector_load %arg9[%get3A, %get3A_163, %get3A_164] {strides = array<i32>} : memref<2x80x128xf32, #tpu.memory_space<vmem>>, vector<16xf32>,
          %get3A_166 = arith.index_cast %and3A_53 : i32 to index
          %get3A_167 = arith.index_cast %add3A_162 : i32 to index
          %get3A_168 = arith.constant 0 : index
          %get3A_169 = tpu.vector_load %arg10[%get3A_166, %get3A_167, %get3A_168] {strides = array<i32>} : memref<2x80x128xf32, #tpu.memory_space<vmem>>, vector<16xf32>,
          %mul3A_170 = arith.mulf %get3A_165, %get3A_169 : vector<16xf32>
          %get3A_171 = arith.index_cast %and3A_53 : i32 to index
          %get3A_172 = arith.index_cast %add3A_162 : i32 to index
          %get3A_173 = arith.constant 16 : index
          %get3A_174 = tpu.vector_load %arg9[%get3A_171, %get3A_172, %get3A_173] {strides = array<i32>} : memref<2x80x128xf32, #tpu.memory_space<vmem>>, vector<16xf32>,
          %get3A_175 = arith.index_cast %and3A_53 : i32 to index
          %get3A_176 = arith.index_cast %add3A_162 : i32 to index
          %get3A_177 = arith.constant 16 : index
          %get3A_178 = tpu.vector_load %arg10[%get3A_175, %get3A_176, %get3A_177] {strides = array<i32>} : memref<2x80x128xf32, #tpu.memory_space<vmem>>, vector<16xf32>,
          %mul3A_179 = arith.mulf %get3A_174, %get3A_178 : vector<16xf32>
          %add3A_180 = arith.addf %mul3A_170, %mul3A_179 : vector<16xf32>
          %get3A_181 = arith.index_cast %and3A_53 : i32 to index
          %get3A_182 = arith.index_cast %add3A_162 : i32 to index
          %get3A_183 = arith.constant 32 : index
          %get3A_184 = tpu.vector_load %arg9[%get3A_181, %get3A_182, %get3A_183] {strides = array<i32>} : memref<2x80x128xf32, #tpu.memory_space<vmem>>, vector<16xf32>,
          %get3A_185 = arith.index_cast %and3A_53 : i32 to index
          %get3A_186 = arith.index_cast %add3A_162 : i32 to index
          %get3A_187 = arith.constant 32 : index
          %get3A_188 = tpu.vector_load %arg10[%get3A_185, %get3A_186, %get3A_187] {strides = array<i32>} : memref<2x80x128xf32, #tpu.memory_space<vmem>>, vector<16xf32>,
          %mul3A_189 = arith.mulf %get3A_184, %get3A_188 : vector<16xf32>
          %add3A_190 = arith.addf %add3A_180, %mul3A_189 : vector<16xf32>
          %get3A_191 = arith.index_cast %and3A_53 : i32 to index
          %get3A_192 = arith.index_cast %add3A_162 : i32 to index
          %get3A_193 = arith.constant 48 : index
          %get3A_194 = tpu.vector_load %arg9[%get3A_191, %get3A_192, %get3A_193] {strides = array<i32>} : memref<2x80x128xf32, #tpu.memory_space<vmem>>, vector<16xf32>,
          %get3A_195 = arith.index_cast %and3A_53 : i32 to index
          %get3A_196 = arith.index_cast %add3A_162 : i32 to index
          %get3A_197 = arith.constant 48 : index
          %get3A_198 = tpu.vector_load %arg10[%get3A_195, %get3A_196, %get3A_197] {strides = array<i32>} : memref<2x80x128xf32, #tpu.memory_space<vmem>>, vector<16xf32>,
          %mul3A_199 = arith.mulf %get3A_194, %get3A_198 : vector<16xf32>
          %add3A_200 = arith.addf %add3A_190, %mul3A_199 : vector<16xf32>
          %get3A_201 = arith.index_cast %and3A_53 : i32 to index
          %get3A_202 = arith.index_cast %add3A_162 : i32 to index
          %get3A_203 = arith.constant 64 : index
          %get3A_204 = tpu.vector_load %arg9[%get3A_201, %get3A_202, %get3A_203] {strides = array<i32>} : memref<2x80x128xf32, #tpu.memory_space<vmem>>, vector<16xf32>,
          %get3A_205 = arith.index_cast %and3A_53 : i32 to index
          %get3A_206 = arith.index_cast %add3A_162 : i32 to index
          %get3A_207 = arith.constant 64 : index
          %get3A_208 = tpu.vector_load %arg10[%get3A_205, %get3A_206, %get3A_207] {strides = array<i32>} : memref<2x80x128xf32, #tpu.memory_space<vmem>>, vector<16xf32>,
          %mul3A_209 = arith.mulf %get3A_204, %get3A_208 : vector<16xf32>
          %add3A_210 = arith.addf %add3A_200, %mul3A_209 : vector<16xf32>
          %get3A_211 = arith.index_cast %and3A_53 : i32 to index
          %get3A_212 = arith.index_cast %add3A_162 : i32 to index
          %get3A_213 = arith.constant 80 : index
          %get3A_214 = tpu.vector_load %arg9[%get3A_211, %get3A_212, %get3A_213] {strides = array<i32>} : memref<2x80x128xf32, #tpu.memory_space<vmem>>, vector<16xf32>,
          %get3A_215 = arith.index_cast %and3A_53 : i32 to index
          %get3A_216 = arith.index_cast %add3A_162 : i32 to index
          %get3A_217 = arith.constant 80 : index
          %get3A_218 = tpu.vector_load %arg10[%get3A_215, %get3A_216, %get3A_217] {strides = array<i32>} : memref<2x80x128xf32, #tpu.memory_space<vmem>>, vector<16xf32>,
          %mul3A_219 = arith.mulf %get3A_214, %get3A_218 : vector<16xf32>
          %add3A_220 = arith.addf %add3A_210, %mul3A_219 : vector<16xf32>
          %get3A_221 = arith.index_cast %and3A_53 : i32 to index
          %get3A_222 = arith.index_cast %add3A_162 : i32 to index
          %get3A_223 = arith.constant 96 : index
          %get3A_224 = tpu.vector_load %arg9[%get3A_221, %get3A_222, %get3A_223] {strides = array<i32>} : memref<2x80x128xf32, #tpu.memory_space<vmem>>, vector<16xf32>,
          %get3A_225 = arith.index_cast %and3A_53 : i32 to index
          %get3A_226 = arith.index_cast %add3A_162 : i32 to index
          %get3A_227 = arith.constant 96 : index
          %get3A_228 = tpu.vector_load %arg10[%get3A_225, %get3A_226, %get3A_227] {strides = array<i32>} : memref<2x80x128xf32, #tpu.memory_space<vmem>>, vector<16xf32>,
          %mul3A_229 = arith.mulf %get3A_224, %get3A_228 : vector<16xf32>
          %add3A_230 = arith.addf %add3A_220, %mul3A_229 : vector<16xf32>
          %get3A_231 = arith.index_cast %and3A_53 : i32 to index
          %get3A_232 = arith.index_cast %add3A_162 : i32 to index
          %get3A_233 = arith.constant 112 : index
          %get3A_234 = tpu.vector_load %arg9[%get3A_231, %get3A_232, %get3A_233] {strides = array<i32>} : memref<2x80x128xf32, #tpu.memory_space<vmem>>, vector<16xf32>,
          %get3A_235 = arith.index_cast %and3A_53 : i32 to index
          %get3A_236 = arith.index_cast %add3A_162 : i32 to index
          %get3A_237 = arith.constant 112 : index
          %get3A_238 = tpu.vector_load %arg10[%get3A_235, %get3A_236, %get3A_237] {strides = array<i32>} : memref<2x80x128xf32, #tpu.memory_space<vmem>>, vector<16xf32>,
          %mul3A_239 = arith.mulf %get3A_234, %get3A_238 : vector<16xf32>
          %add3A_240 = arith.addf %add3A_230, %mul3A_239 : vector<16xf32>
          %eq3A_241 = vector.broadcast %scan3A_158 : i32 to vector<16xi32>
          %eq3A_242 = arith.cmpi eq, %iota3A, %eq3A_241 : vector<16xi32>
          %reduce_sum3A = arith.constant true
          %reduce_sum3A_243 = vector.broadcast %reduce_sum3A : i1 to vector<16xi1>
          %reduce_sum3A_244 = tpu.scan <sum>, %add3A_240 masked %reduce_sum3A_243 : vector<16xf32>, vector<16xi1> -> vector<16xf32>
          %reduce_sum3A_245 = vector.extract %reduce_sum3A_244[15] : f32 from vector<16xf32>
          %broadcast_in_dim3A_246 = vector.broadcast %reduce_sum3A_245 : f32 to vector<16xf32>
          %select_n3A_247 = arith.select %eq3A_242, %broadcast_in_dim3A_246, %scan3A_159 : vector<16xi1>, vector<16xf32>
          %scan3A_248 = arith.constant 1 : i32
          %scan3A_249 = arith.addi %scan3A_158, %scan3A_248 : i32
          %mul3A_250 = arith.constant 16 : i32
          %mul3A_251 = arith.muli %scan3A_139, %mul3A_250 : i32
          %add3A_252 = arith.addi %mul3A_251, %scan3A_249 : i32
          %get3A_253 = arith.index_cast %and3A_53 : i32 to index
          %get3A_254 = arith.index_cast %add3A_252 : i32 to index
          %get3A_255 = arith.constant 0 : index
          %get3A_256 = tpu.vector_load %arg9[%get3A_253, %get3A_254, %get3A_255] {strides = array<i32>} : memref<2x80x128xf32, #tpu.memory_space<vmem>>, vector<16xf32>,
          %get3A_257 = arith.index_cast %and3A_53 : i32 to index
          %get3A_258 = arith.index_cast %add3A_252 : i32 to index
          %get3A_259 = arith.constant 0 : index
          %get3A_260 = tpu.vector_load %arg10[%get3A_257, %get3A_258, %get3A_259] {strides = array<i32>} : memref<2x80x128xf32, #tpu.memory_space<vmem>>, vector<16xf32>,
          %mul3A_261 = arith.mulf %get3A_256, %get3A_260 : vector<16xf32>
          %get3A_262 = arith.index_cast %and3A_53 : i32 to index
          %get3A_263 = arith.index_cast %add3A_252 : i32 to index
          %get3A_264 = arith.constant 16 : index
          %get3A_265 = tpu.vector_load %arg9[%get3A_262, %get3A_263, %get3A_264] {strides = array<i32>} : memref<2x80x128xf32, #tpu.memory_space<vmem>>, vector<16xf32>,
          %get3A_266 = arith.index_cast %and3A_53 : i32 to index
          %get3A_267 = arith.index_cast %add3A_252 : i32 to index
          %get3A_268 = arith.constant 16 : index
          %get3A_269 = tpu.vector_load %arg10[%get3A_266, %get3A_267, %get3A_268] {strides = array<i32>} : memref<2x80x128xf32, #tpu.memory_space<vmem>>, vector<16xf32>,
          %mul3A_270 = arith.mulf %get3A_265, %get3A_269 : vector<16xf32>
          %add3A_271 = arith.addf %mul3A_261, %mul3A_270 : vector<16xf32>
          %get3A_272 = arith.index_cast %and3A_53 : i32 to index
          %get3A_273 = arith.index_cast %add3A_252 : i32 to index
          %get3A_274 = arith.constant 32 : index
          %get3A_275 = tpu.vector_load %arg9[%get3A_272, %get3A_273, %get3A_274] {strides = array<i32>} : memref<2x80x128xf32, #tpu.memory_space<vmem>>, vector<16xf32>,
          %get3A_276 = arith.index_cast %and3A_53 : i32 to index
          %get3A_277 = arith.index_cast %add3A_252 : i32 to index
          %get3A_278 = arith.constant 32 : index
          %get3A_279 = tpu.vector_load %arg10[%get3A_276, %get3A_277, %get3A_278] {strides = array<i32>} : memref<2x80x128xf32, #tpu.memory_space<vmem>>, vector<16xf32>,
          %mul3A_280 = arith.mulf %get3A_275, %get3A_279 : vector<16xf32>
          %add3A_281 = arith.addf %add3A_271, %mul3A_280 : vector<16xf32>
          %get3A_282 = arith.index_cast %and3A_53 : i32 to index
          %get3A_283 = arith.index_cast %add3A_252 : i32 to index
          %get3A_284 = arith.constant 48 : index
          %get3A_285 = tpu.vector_load %arg9[%get3A_282, %get3A_283, %get3A_284] {strides = array<i32>} : memref<2x80x128xf32, #tpu.memory_space<vmem>>, vector<16xf32>,
          %get3A_286 = arith.index_cast %and3A_53 : i32 to index
          %get3A_287 = arith.index_cast %add3A_252 : i32 to index
          %get3A_288 = arith.constant 48 : index
          %get3A_289 = tpu.vector_load %arg10[%get3A_286, %get3A_287, %get3A_288] {strides = array<i32>} : memref<2x80x128xf32, #tpu.memory_space<vmem>>, vector<16xf32>,
          %mul3A_290 = arith.mulf %get3A_285, %get3A_289 : vector<16xf32>
          %add3A_291 = arith.addf %add3A_281, %mul3A_290 : vector<16xf32>
          %get3A_292 = arith.index_cast %and3A_53 : i32 to index
          %get3A_293 = arith.index_cast %add3A_252 : i32 to index
          %get3A_294 = arith.constant 64 : index
          %get3A_295 = tpu.vector_load %arg9[%get3A_292, %get3A_293, %get3A_294] {strides = array<i32>} : memref<2x80x128xf32, #tpu.memory_space<vmem>>, vector<16xf32>,
          %get3A_296 = arith.index_cast %and3A_53 : i32 to index
          %get3A_297 = arith.index_cast %add3A_252 : i32 to index
          %get3A_298 = arith.constant 64 : index
          %get3A_299 = tpu.vector_load %arg10[%get3A_296, %get3A_297, %get3A_298] {strides = array<i32>} : memref<2x80x128xf32, #tpu.memory_space<vmem>>, vector<16xf32>,
          %mul3A_300 = arith.mulf %get3A_295, %get3A_299 : vector<16xf32>
          %add3A_301 = arith.addf %add3A_291, %mul3A_300 : vector<16xf32>
          %get3A_302 = arith.index_cast %and3A_53 : i32 to index
          %get3A_303 = arith.index_cast %add3A_252 : i32 to index
          %get3A_304 = arith.constant 80 : index
          %get3A_305 = tpu.vector_load %arg9[%get3A_302, %get3A_303, %get3A_304] {strides = array<i32>} : memref<2x80x128xf32, #tpu.memory_space<vmem>>, vector<16xf32>,
          %get3A_306 = arith.index_cast %and3A_53 : i32 to index
          %get3A_307 = arith.index_cast %add3A_252 : i32 to index
          %get3A_308 = arith.constant 80 : index
          %get3A_309 = tpu.vector_load %arg10[%get3A_306, %get3A_307, %get3A_308] {strides = array<i32>} : memref<2x80x128xf32, #tpu.memory_space<vmem>>, vector<16xf32>,
          %mul3A_310 = arith.mulf %get3A_305, %get3A_309 : vector<16xf32>
          %add3A_311 = arith.addf %add3A_301, %mul3A_310 : vector<16xf32>
          %get3A_312 = arith.index_cast %and3A_53 : i32 to index
          %get3A_313 = arith.index_cast %add3A_252 : i32 to index
          %get3A_314 = arith.constant 96 : index
          %get3A_315 = tpu.vector_load %arg9[%get3A_312, %get3A_313, %get3A_314] {strides = array<i32>} : memref<2x80x128xf32, #tpu.memory_space<vmem>>, vector<16xf32>,
          %get3A_316 = arith.index_cast %and3A_53 : i32 to index
          %get3A_317 = arith.index_cast %add3A_252 : i32 to index
          %get3A_318 = arith.constant 96 : index
          %get3A_319 = tpu.vector_load %arg10[%get3A_316, %get3A_317, %get3A_318] {strides = array<i32>} : memref<2x80x128xf32, #tpu.memory_space<vmem>>, vector<16xf32>,
          %mul3A_320 = arith.mulf %get3A_315, %get3A_319 : vector<16xf32>
          %add3A_321 = arith.addf %add3A_311, %mul3A_320 : vector<16xf32>
          %get3A_322 = arith.index_cast %and3A_53 : i32 to index
          %get3A_323 = arith.index_cast %add3A_252 : i32 to index
          %get3A_324 = arith.constant 112 : index
          %get3A_325 = tpu.vector_load %arg9[%get3A_322, %get3A_323, %get3A_324] {strides = array<i32>} : memref<2x80x128xf32, #tpu.memory_space<vmem>>, vector<16xf32>,
          %get3A_326 = arith.index_cast %and3A_53 : i32 to index
          %get3A_327 = arith.index_cast %add3A_252 : i32 to index
          %get3A_328 = arith.constant 112 : index
          %get3A_329 = tpu.vector_load %arg10[%get3A_326, %get3A_327, %get3A_328] {strides = array<i32>} : memref<2x80x128xf32, #tpu.memory_space<vmem>>, vector<16xf32>,
          %mul3A_330 = arith.mulf %get3A_325, %get3A_329 : vector<16xf32>
          %add3A_331 = arith.addf %add3A_321, %mul3A_330 : vector<16xf32>
          %eq3A_332 = vector.broadcast %scan3A_249 : i32 to vector<16xi32>
          %eq3A_333 = arith.cmpi eq, %iota3A, %eq3A_332 : vector<16xi32>
          %reduce_sum3A_334 = arith.constant true
          %reduce_sum3A_335 = vector.broadcast %reduce_sum3A_334 : i1 to vector<16xi1>
          %reduce_sum3A_336 = tpu.scan <sum>, %add3A_331 masked %reduce_sum3A_335 : vector<16xf32>, vector<16xi1> -> vector<16xf32>
          %reduce_sum3A_337 = vector.extract %reduce_sum3A_336[15] : f32 from vector<16xf32>
          %broadcast_in_dim3A_338 = vector.broadcast %reduce_sum3A_337 : f32 to vector<16xf32>
          %select_n3A_339 = arith.select %eq3A_333, %broadcast_in_dim3A_338, %select_n3A_247 : vector<16xi1>, vector<16xf32>
          %scan3A_340 = arith.constant 2 : i32
          %scan3A_341 = arith.addi %scan3A_158, %scan3A_340 : i32
          %mul3A_342 = arith.constant 16 : i32
          %mul3A_343 = arith.muli %scan3A_139, %mul3A_342 : i32
          %add3A_344 = arith.addi %mul3A_343, %scan3A_341 : i32
          %get3A_345 = arith.index_cast %and3A_53 : i32 to index
          %get3A_346 = arith.index_cast %add3A_344 : i32 to index
          %get3A_347 = arith.constant 0 : index
          %get3A_348 = tpu.vector_load %arg9[%get3A_345, %get3A_346, %get3A_347] {strides = array<i32>} : memref<2x80x128xf32, #tpu.memory_space<vmem>>, vector<16xf32>,
          %get3A_349 = arith.index_cast %and3A_53 : i32 to index
          %get3A_350 = arith.index_cast %add3A_344 : i32 to index
          %get3A_351 = arith.constant 0 : index
          %get3A_352 = tpu.vector_load %arg10[%get3A_349, %get3A_350, %get3A_351] {strides = array<i32>} : memref<2x80x128xf32, #tpu.memory_space<vmem>>, vector<16xf32>,
          %mul3A_353 = arith.mulf %get3A_348, %get3A_352 : vector<16xf32>
          %get3A_354 = arith.index_cast %and3A_53 : i32 to index
          %get3A_355 = arith.index_cast %add3A_344 : i32 to index
          %get3A_356 = arith.constant 16 : index
          %get3A_357 = tpu.vector_load %arg9[%get3A_354, %get3A_355, %get3A_356] {strides = array<i32>} : memref<2x80x128xf32, #tpu.memory_space<vmem>>, vector<16xf32>,
          %get3A_358 = arith.index_cast %and3A_53 : i32 to index
          %get3A_359 = arith.index_cast %add3A_344 : i32 to index
          %get3A_360 = arith.constant 16 : index
          %get3A_361 = tpu.vector_load %arg10[%get3A_358, %get3A_359, %get3A_360] {strides = array<i32>} : memref<2x80x128xf32, #tpu.memory_space<vmem>>, vector<16xf32>,
          %mul3A_362 = arith.mulf %get3A_357, %get3A_361 : vector<16xf32>
          %add3A_363 = arith.addf %mul3A_353, %mul3A_362 : vector<16xf32>
          %get3A_364 = arith.index_cast %and3A_53 : i32 to index
          %get3A_365 = arith.index_cast %add3A_344 : i32 to index
          %get3A_366 = arith.constant 32 : index
          %get3A_367 = tpu.vector_load %arg9[%get3A_364, %get3A_365, %get3A_366] {strides = array<i32>} : memref<2x80x128xf32, #tpu.memory_space<vmem>>, vector<16xf32>,
          %get3A_368 = arith.index_cast %and3A_53 : i32 to index
          %get3A_369 = arith.index_cast %add3A_344 : i32 to index
          %get3A_370 = arith.constant 32 : index
          %get3A_371 = tpu.vector_load %arg10[%get3A_368, %get3A_369, %get3A_370] {strides = array<i32>} : memref<2x80x128xf32, #tpu.memory_space<vmem>>, vector<16xf32>,
          %mul3A_372 = arith.mulf %get3A_367, %get3A_371 : vector<16xf32>
          %add3A_373 = arith.addf %add3A_363, %mul3A_372 : vector<16xf32>
          %get3A_374 = arith.index_cast %and3A_53 : i32 to index
          %get3A_375 = arith.index_cast %add3A_344 : i32 to index
          %get3A_376 = arith.constant 48 : index
          %get3A_377 = tpu.vector_load %arg9[%get3A_374, %get3A_375, %get3A_376] {strides = array<i32>} : memref<2x80x128xf32, #tpu.memory_space<vmem>>, vector<16xf32>,
          %get3A_378 = arith.index_cast %and3A_53 : i32 to index
          %get3A_379 = arith.index_cast %add3A_344 : i32 to index
          %get3A_380 = arith.constant 48 : index
          %get3A_381 = tpu.vector_load %arg10[%get3A_378, %get3A_379, %get3A_380] {strides = array<i32>} : memref<2x80x128xf32, #tpu.memory_space<vmem>>, vector<16xf32>,
          %mul3A_382 = arith.mulf %get3A_377, %get3A_381 : vector<16xf32>
          %add3A_383 = arith.addf %add3A_373, %mul3A_382 : vector<16xf32>
          %get3A_384 = arith.index_cast %and3A_53 : i32 to index
          %get3A_385 = arith.index_cast %add3A_344 : i32 to index
          %get3A_386 = arith.constant 64 : index
          %get3A_387 = tpu.vector_load %arg9[%get3A_384, %get3A_385, %get3A_386] {strides = array<i32>} : memref<2x80x128xf32, #tpu.memory_space<vmem>>, vector<16xf32>,
          %get3A_388 = arith.index_cast %and3A_53 : i32 to index
          %get3A_389 = arith.index_cast %add3A_344 : i32 to index
          %get3A_390 = arith.constant 64 : index
          %get3A_391 = tpu.vector_load %arg10[%get3A_388, %get3A_389, %get3A_390] {strides = array<i32>} : memref<2x80x128xf32, #tpu.memory_space<vmem>>, vector<16xf32>,
          %mul3A_392 = arith.mulf %get3A_387, %get3A_391 : vector<16xf32>
          %add3A_393 = arith.addf %add3A_383, %mul3A_392 : vector<16xf32>
          %get3A_394 = arith.index_cast %and3A_53 : i32 to index
          %get3A_395 = arith.index_cast %add3A_344 : i32 to index
          %get3A_396 = arith.constant 80 : index
          %get3A_397 = tpu.vector_load %arg9[%get3A_394, %get3A_395, %get3A_396] {strides = array<i32>} : memref<2x80x128xf32, #tpu.memory_space<vmem>>, vector<16xf32>,
          %get3A_398 = arith.index_cast %and3A_53 : i32 to index
          %get3A_399 = arith.index_cast %add3A_344 : i32 to index
          %get3A_400 = arith.constant 80 : index
          %get3A_401 = tpu.vector_load %arg10[%get3A_398, %get3A_399, %get3A_400] {strides = array<i32>} : memref<2x80x128xf32, #tpu.memory_space<vmem>>, vector<16xf32>,
          %mul3A_402 = arith.mulf %get3A_397, %get3A_401 : vector<16xf32>
          %add3A_403 = arith.addf %add3A_393, %mul3A_402 : vector<16xf32>
          %get3A_404 = arith.index_cast %and3A_53 : i32 to index
          %get3A_405 = arith.index_cast %add3A_344 : i32 to index
          %get3A_406 = arith.constant 96 : index
          %get3A_407 = tpu.vector_load %arg9[%get3A_404, %get3A_405, %get3A_406] {strides = array<i32>} : memref<2x80x128xf32, #tpu.memory_space<vmem>>, vector<16xf32>,
          %get3A_408 = arith.index_cast %and3A_53 : i32 to index
          %get3A_409 = arith.index_cast %add3A_344 : i32 to index
          %get3A_410 = arith.constant 96 : index
          %get3A_411 = tpu.vector_load %arg10[%get3A_408, %get3A_409, %get3A_410] {strides = array<i32>} : memref<2x80x128xf32, #tpu.memory_space<vmem>>, vector<16xf32>,
          %mul3A_412 = arith.mulf %get3A_407, %get3A_411 : vector<16xf32>
          %add3A_413 = arith.addf %add3A_403, %mul3A_412 : vector<16xf32>
          %get3A_414 = arith.index_cast %and3A_53 : i32 to index
          %get3A_415 = arith.index_cast %add3A_344 : i32 to index
          %get3A_416 = arith.constant 112 : index
          %get3A_417 = tpu.vector_load %arg9[%get3A_414, %get3A_415, %get3A_416] {strides = array<i32>} : memref<2x80x128xf32, #tpu.memory_space<vmem>>, vector<16xf32>,
          %get3A_418 = arith.index_cast %and3A_53 : i32 to index
          %get3A_419 = arith.index_cast %add3A_344 : i32 to index
          %get3A_420 = arith.constant 112 : index
          %get3A_421 = tpu.vector_load %arg10[%get3A_418, %get3A_419, %get3A_420] {strides = array<i32>} : memref<2x80x128xf32, #tpu.memory_space<vmem>>, vector<16xf32>,
          %mul3A_422 = arith.mulf %get3A_417, %get3A_421 : vector<16xf32>
          %add3A_423 = arith.addf %add3A_413, %mul3A_422 : vector<16xf32>
          %eq3A_424 = vector.broadcast %scan3A_341 : i32 to vector<16xi32>
          %eq3A_425 = arith.cmpi eq, %iota3A, %eq3A_424 : vector<16xi32>
          %reduce_sum3A_426 = arith.constant true
          %reduce_sum3A_427 = vector.broadcast %reduce_sum3A_426 : i1 to vector<16xi1>
          %reduce_sum3A_428 = tpu.scan <sum>, %add3A_423 masked %reduce_sum3A_427 : vector<16xf32>, vector<16xi1> -> vector<16xf32>
          %reduce_sum3A_429 = vector.extract %reduce_sum3A_428[15] : f32 from vector<16xf32>
          %broadcast_in_dim3A_430 = vector.broadcast %reduce_sum3A_429 : f32 to vector<16xf32>
          %select_n3A_431 = arith.select %eq3A_425, %broadcast_in_dim3A_430, %select_n3A_339 : vector<16xi1>, vector<16xf32>
          %scan3A_432 = arith.constant 3 : i32
          %scan3A_433 = arith.addi %scan3A_158, %scan3A_432 : i32
          %mul3A_434 = arith.constant 16 : i32
          %mul3A_435 = arith.muli %scan3A_139, %mul3A_434 : i32
          %add3A_436 = arith.addi %mul3A_435, %scan3A_433 : i32
          %get3A_437 = arith.index_cast %and3A_53 : i32 to index
          %get3A_438 = arith.index_cast %add3A_436 : i32 to index
          %get3A_439 = arith.constant 0 : index
          %get3A_440 = tpu.vector_load %arg9[%get3A_437, %get3A_438, %get3A_439] {strides = array<i32>} : memref<2x80x128xf32, #tpu.memory_space<vmem>>, vector<16xf32>,
          %get3A_441 = arith.index_cast %and3A_53 : i32 to index
          %get3A_442 = arith.index_cast %add3A_436 : i32 to index
          %get3A_443 = arith.constant 0 : index
          %get3A_444 = tpu.vector_load %arg10[%get3A_441, %get3A_442, %get3A_443] {strides = array<i32>} : memref<2x80x128xf32, #tpu.memory_space<vmem>>, vector<16xf32>,
          %mul3A_445 = arith.mulf %get3A_440, %get3A_444 : vector<16xf32>
          %get3A_446 = arith.index_cast %and3A_53 : i32 to index
          %get3A_447 = arith.index_cast %add3A_436 : i32 to index
          %get3A_448 = arith.constant 16 : index
          %get3A_449 = tpu.vector_load %arg9[%get3A_446, %get3A_447, %get3A_448] {strides = array<i32>} : memref<2x80x128xf32, #tpu.memory_space<vmem>>, vector<16xf32>,
          %get3A_450 = arith.index_cast %and3A_53 : i32 to index
          %get3A_451 = arith.index_cast %add3A_436 : i32 to index
          %get3A_452 = arith.constant 16 : index
          %get3A_453 = tpu.vector_load %arg10[%get3A_450, %get3A_451, %get3A_452] {strides = array<i32>} : memref<2x80x128xf32, #tpu.memory_space<vmem>>, vector<16xf32>,
          %mul3A_454 = arith.mulf %get3A_449, %get3A_453 : vector<16xf32>
          %add3A_455 = arith.addf %mul3A_445, %mul3A_454 : vector<16xf32>
          %get3A_456 = arith.index_cast %and3A_53 : i32 to index
          %get3A_457 = arith.index_cast %add3A_436 : i32 to index
          %get3A_458 = arith.constant 32 : index
          %get3A_459 = tpu.vector_load %arg9[%get3A_456, %get3A_457, %get3A_458] {strides = array<i32>} : memref<2x80x128xf32, #tpu.memory_space<vmem>>, vector<16xf32>,
          %get3A_460 = arith.index_cast %and3A_53 : i32 to index
          %get3A_461 = arith.index_cast %add3A_436 : i32 to index
          %get3A_462 = arith.constant 32 : index
          %get3A_463 = tpu.vector_load %arg10[%get3A_460, %get3A_461, %get3A_462] {strides = array<i32>} : memref<2x80x128xf32, #tpu.memory_space<vmem>>, vector<16xf32>,
          %mul3A_464 = arith.mulf %get3A_459, %get3A_463 : vector<16xf32>
          %add3A_465 = arith.addf %add3A_455, %mul3A_464 : vector<16xf32>
          %get3A_466 = arith.index_cast %and3A_53 : i32 to index
          %get3A_467 = arith.index_cast %add3A_436 : i32 to index
          %get3A_468 = arith.constant 48 : index
          %get3A_469 = tpu.vector_load %arg9[%get3A_466, %get3A_467, %get3A_468] {strides = array<i32>} : memref<2x80x128xf32, #tpu.memory_space<vmem>>, vector<16xf32>,
          %get3A_470 = arith.index_cast %and3A_53 : i32 to index
          %get3A_471 = arith.index_cast %add3A_436 : i32 to index
          %get3A_472 = arith.constant 48 : index
          %get3A_473 = tpu.vector_load %arg10[%get3A_470, %get3A_471, %get3A_472] {strides = array<i32>} : memref<2x80x128xf32, #tpu.memory_space<vmem>>, vector<16xf32>,
          %mul3A_474 = arith.mulf %get3A_469, %get3A_473 : vector<16xf32>
          %add3A_475 = arith.addf %add3A_465, %mul3A_474 : vector<16xf32>
          %get3A_476 = arith.index_cast %and3A_53 : i32 to index
          %get3A_477 = arith.index_cast %add3A_436 : i32 to index
          %get3A_478 = arith.constant 64 : index
          %get3A_479 = tpu.vector_load %arg9[%get3A_476, %get3A_477, %get3A_478] {strides = array<i32>} : memref<2x80x128xf32, #tpu.memory_space<vmem>>, vector<16xf32>,
          %get3A_480 = arith.index_cast %and3A_53 : i32 to index
          %get3A_481 = arith.index_cast %add3A_436 : i32 to index
          %get3A_482 = arith.constant 64 : index
          %get3A_483 = tpu.vector_load %arg10[%get3A_480, %get3A_481, %get3A_482] {strides = array<i32>} : memref<2x80x128xf32, #tpu.memory_space<vmem>>, vector<16xf32>,
          %mul3A_484 = arith.mulf %get3A_479, %get3A_483 : vector<16xf32>
          %add3A_485 = arith.addf %add3A_475, %mul3A_484 : vector<16xf32>
          %get3A_486 = arith.index_cast %and3A_53 : i32 to index
          %get3A_487 = arith.index_cast %add3A_436 : i32 to index
          %get3A_488 = arith.constant 80 : index
          %get3A_489 = tpu.vector_load %arg9[%get3A_486, %get3A_487, %get3A_488] {strides = array<i32>} : memref<2x80x128xf32, #tpu.memory_space<vmem>>, vector<16xf32>,
          %get3A_490 = arith.index_cast %and3A_53 : i32 to index
          %get3A_491 = arith.index_cast %add3A_436 : i32 to index
          %get3A_492 = arith.constant 80 : index
          %get3A_493 = tpu.vector_load %arg10[%get3A_490, %get3A_491, %get3A_492] {strides = array<i32>} : memref<2x80x128xf32, #tpu.memory_space<vmem>>, vector<16xf32>,
          %mul3A_494 = arith.mulf %get3A_489, %get3A_493 : vector<16xf32>
          %add3A_495 = arith.addf %add3A_485, %mul3A_494 : vector<16xf32>
          %get3A_496 = arith.index_cast %and3A_53 : i32 to index
          %get3A_497 = arith.index_cast %add3A_436 : i32 to index
          %get3A_498 = arith.constant 96 : index
          %get3A_499 = tpu.vector_load %arg9[%get3A_496, %get3A_497, %get3A_498] {strides = array<i32>} : memref<2x80x128xf32, #tpu.memory_space<vmem>>, vector<16xf32>,
          %get3A_500 = arith.index_cast %and3A_53 : i32 to index
          %get3A_501 = arith.index_cast %add3A_436 : i32 to index
          %get3A_502 = arith.constant 96 : index
          %get3A_503 = tpu.vector_load %arg10[%get3A_500, %get3A_501, %get3A_502] {strides = array<i32>} : memref<2x80x128xf32, #tpu.memory_space<vmem>>, vector<16xf32>,
          %mul3A_504 = arith.mulf %get3A_499, %get3A_503 : vector<16xf32>
          %add3A_505 = arith.addf %add3A_495, %mul3A_504 : vector<16xf32>
          %get3A_506 = arith.index_cast %and3A_53 : i32 to index
          %get3A_507 = arith.index_cast %add3A_436 : i32 to index
          %get3A_508 = arith.constant 112 : index
          %get3A_509 = tpu.vector_load %arg9[%get3A_506, %get3A_507, %get3A_508] {strides = array<i32>} : memref<2x80x128xf32, #tpu.memory_space<vmem>>, vector<16xf32>,
          %get3A_510 = arith.index_cast %and3A_53 : i32 to index
          %get3A_511 = arith.index_cast %add3A_436 : i32 to index
          %get3A_512 = arith.constant 112 : index
          %get3A_513 = tpu.vector_load %arg10[%get3A_510, %get3A_511, %get3A_512] {strides = array<i32>} : memref<2x80x128xf32, #tpu.memory_space<vmem>>, vector<16xf32>,
          %mul3A_514 = arith.mulf %get3A_509, %get3A_513 : vector<16xf32>
          %add3A_515 = arith.addf %add3A_505, %mul3A_514 : vector<16xf32>
          %eq3A_516 = vector.broadcast %scan3A_433 : i32 to vector<16xi32>
          %eq3A_517 = arith.cmpi eq, %iota3A, %eq3A_516 : vector<16xi32>
          %reduce_sum3A_518 = arith.constant true
          %reduce_sum3A_519 = vector.broadcast %reduce_sum3A_518 : i1 to vector<16xi1>
          %reduce_sum3A_520 = tpu.scan <sum>, %add3A_515 masked %reduce_sum3A_519 : vector<16xf32>, vector<16xi1> -> vector<16xf32>
          %reduce_sum3A_521 = vector.extract %reduce_sum3A_520[15] : f32 from vector<16xf32>
          %broadcast_in_dim3A_522 = vector.broadcast %reduce_sum3A_521 : f32 to vector<16xf32>
          %select_n3A_523 = arith.select %eq3A_517, %broadcast_in_dim3A_522, %select_n3A_431 : vector<16xi1>, vector<16xf32>
          scf.yield %select_n3A_523 : vector<16xf32>
        }
        %scan3A_146 = arith.constant 16 : i32
        %neg3A = arith.constant 0.000000e+00 : f32
        %neg3A_147 = vector.broadcast %neg3A : f32 to vector<16xf32>
        %neg3A_148 = arith.subf %neg3A_147, %scan3A_145 : vector<16xf32>
        %exp3A = math.exp %neg3A_148 : vector<16xf32>
        %add3A_149 = arith.constant 1.000000e+00 : f32
        %add3A_150 = vector.broadcast %add3A_149 : f32 to vector<16xf32>
        %add3A_151 = arith.addf %add3A_150, %exp3A : vector<16xf32>
        %div3A = arith.constant 1.000000e+00 : f32
        %div3A_152 = vector.broadcast %div3A : f32 to vector<16xf32>
        %div3A_153 = arith.divf %div3A_152, %add3A_151 : vector<16xf32>
        %mul3A_154 = arith.constant 16 : i32
        %mul3A_155 = arith.muli %scan3A_139, %mul3A_154 : i32
        %swap3A = arith.index_cast %and3A_53 : i32 to index
        %swap3A_156 = arith.index_cast %mul3A_155 : i32 to index
        %swap3A_157 = tpu.vector_load %arg11[%swap3A, %swap3A_156] {strides = array<i32>} : memref<2x80xf32, #tpu.memory_space<vmem>>, vector<16xf32>,
        tpu.vector_store %arg11[%swap3A, %swap3A_156], %div3A_153 {strides = array<i32>} : memref<2x80xf32, #tpu.memory_space<vmem>>, vector<16xf32>,
      }
      %scan3A_127 = arith.constant 5 : i32
      %mul3A_128 = arith.constant 80 : i32
      %mul3A_129 = arith.muli %scan3A_52, %mul3A_128 : i32
      %add3A_130 = arith.addi %mul3A_2, %mul3A_129 : i32
      %dma_start3A_131 = arith.constant 0 : i32
      %dma_start3A_132 = tpu.memref_slice %arg11[%and3A_53, %dma_start3A_131] : memref<2x80xf32, #tpu.memory_space<vmem>> -> memref<1x80xf32, #tpu.memory_space<vmem>>
      %dma_start3A_133 = tpu.memref_squeeze %dma_start3A_132 : memref<1x80xf32, #tpu.memory_space<vmem>> -> memref<80xf32, #tpu.memory_space<vmem>>
      %dma_start3A_134 = tpu.memref_slice %arg5[%add3A_130] : memref<320000xf32, #tpu.memory_space<hbm>> -> memref<80xf32, #tpu.memory_space<hbm>>
      %dma_start3A_135 = tpu.memref_slice %arg5[%add3A_130] : memref<320000xf32, #tpu.memory_space<hbm>> -> memref<80xf32, #tpu.memory_space<hbm>>
      %dma_start3A_136 = arith.constant 0 : i32
      %dma_start3A_137 = tpu.memref_slice %arg11[%and3A_53, %dma_start3A_136] : memref<2x80xf32, #tpu.memory_space<vmem>> -> memref<1x80xf32, #tpu.memory_space<vmem>>
      %dma_start3A_138 = tpu.memref_squeeze %dma_start3A_137 : memref<1x80xf32, #tpu.memory_space<vmem>> -> memref<80xf32, #tpu.memory_space<vmem>>
      tpu.enqueue_dma source(%dma_start3A_138 : memref<80xf32, #tpu.memory_space<vmem>>) target(%dma_start3A_135 : memref<80xf32, #tpu.memory_space<hbm>>) target_semaphore(%arg13 : memref<!tpu.dma_semaphore, #tpu.memory_space<semaphore_mem>>)
    }
    %scan3A_30 = arith.constant 125 : i32
    %add3A_31 = arith.constant 9840 : i32
    %add3A_32 = arith.addi %mul3A_2, %add3A_31 : i32
    %dma_wait3A = arith.constant 1 : i32
    %dma_wait3A_33 = arith.constant 0 : i32
    %dma_wait3A_34 = tpu.memref_slice %arg11[%dma_wait3A, %dma_wait3A_33] : memref<2x80xf32, #tpu.memory_space<vmem>> -> memref<1x80xf32, #tpu.memory_space<vmem>>
    %dma_wait3A_35 = tpu.memref_squeeze %dma_wait3A_34 : memref<1x80xf32, #tpu.memory_space<vmem>> -> memref<80xf32, #tpu.memory_space<vmem>>
    %dma_wait3A_36 = tpu.memref_slice %arg5[%add3A_32] : memref<320000xf32, #tpu.memory_space<hbm>> -> memref<80xf32, #tpu.memory_space<hbm>>
    %dma_wait3A_37 = tpu.memref_slice %arg5[%add3A_32] : memref<320000xf32, #tpu.memory_space<hbm>> -> memref<80xf32, #tpu.memory_space<hbm>>
    %dma_wait3A_38 = arith.constant 0 : i32
    %dma_wait3A_39 = tpu.memref_slice %arg11[%dma_wait3A, %dma_wait3A_38] : memref<2x80xf32, #tpu.memory_space<vmem>> -> memref<1x80xf32, #tpu.memory_space<vmem>>
    %dma_wait3A_40 = tpu.memref_squeeze %dma_wait3A_39 : memref<1x80xf32, #tpu.memory_space<vmem>> -> memref<80xf32, #tpu.memory_space<vmem>>
    tpu.wait_dma2 semaphore(%arg13 : memref<!tpu.dma_semaphore, #tpu.memory_space<semaphore_mem>>) src(%dma_wait3A_40 : memref<80xf32, #tpu.memory_space<vmem>>) dst(%dma_wait3A_37 : memref<80xf32, #tpu.memory_space<hbm>>)
    %add3A_41 = arith.constant 9920 : i32
    %add3A_42 = arith.addi %mul3A_2, %add3A_41 : i32
    %dma_wait3A_43 = arith.constant 0 : i32
    %dma_wait3A_44 = arith.constant 0 : i32
    %dma_wait3A_45 = tpu.memref_slice %arg11[%dma_wait3A_43, %dma_wait3A_44] : memref<2x80xf32, #tpu.memory_space<vmem>> -> memref<1x80xf32, #tpu.memory_space<vmem>>
    %dma_wait3A_46 = tpu.memref_squeeze %dma_wait3A_45 : memref<1x80xf32, #tpu.memory_space<vmem>> -> memref<80xf32, #tpu.memory_space<vmem>>
    %dma_wait3A_47 = tpu.memref_slice %arg5[%add3A_42] : memref<320000xf32, #tpu.memory_space<hbm>> -> memref<80xf32, #tpu.memory_space<hbm>>
    %dma_wait3A_48 = tpu.memref_slice %arg5[%add3A_42] : memref<320000xf32, #tpu.memory_space<hbm>> -> memref<80xf32, #tpu.memory_space<hbm>>
    %dma_wait3A_49 = arith.constant 0 : i32
    %dma_wait3A_50 = tpu.memref_slice %arg11[%dma_wait3A_43, %dma_wait3A_49] : memref<2x80xf32, #tpu.memory_space<vmem>> -> memref<1x80xf32, #tpu.memory_space<vmem>>
    %dma_wait3A_51 = tpu.memref_squeeze %dma_wait3A_50 : memref<1x80xf32, #tpu.memory_space<vmem>> -> memref<80xf32, #tpu.memory_space<vmem>>
    tpu.wait_dma2 semaphore(%arg13 : memref<!tpu.dma_semaphore, #tpu.memory_space<semaphore_mem>>) src(%dma_wait3A_51 : memref<80xf32, #tpu.memory_space<vmem>>) dst(%dma_wait3A_48 : memref<80xf32, #tpu.memory_space<hbm>>)
    return
  }
}

</mosaic_0001>

<sc_bundles>
// kernel: kernel.3.cloned.1.call-start
scs
__scs_entry_jumppad:
0x0: {  	(pc) =	sbr.rel $0x88, $3  }
0x1: {  	(tag) =	ssettag $0x0;
	lr =	simm.s32 $0x1  }
0x2: {  	[smem:$0x3F9F] =	sst lr;
	_ =	strace $0xD0000000  }
0x3: {  	_ = 	snop  }
0x4: {  	_ = 	snop  }
0x5: {  	_ = 	snop  }
0x6: {  	_ = 	snop  }
0x7: {  	_ = 	snop  }
__scs_overlays_trampoline_lowered:
0x8: {  	[smem:$0x3FAE] =	sst s0  }
0x9: {  	[smem:$0x3FAF] =	sst s1  }
0xa: {  	[smem:$0x3FB0] =	sst s2  }
0xb: {  	[smem:$0x3FB1] =	sst s3  }
0xc: {  	[smem:$0x3FB2] =	sst s4  }
0xd: {  	[smem:$0x3FB3] =	sst s5  }
0xe: {  	[smem:$0x3FB4] =	sst s6  }
0xf: {  	[smem:$0x3FB5] =	sst s7  }
0x10: {  	[smem:$0x3FB6] =	sst s8  }
0x11: {  	[smem:$0x3FB7] =	sst s9;
	s0 =	simm.s32 @!p0 $0x0  }
0x12: {  	s1 =	sld [smem:$0x3F9D];
	s0 =	simm.s32 @p0 $0x1  }
0x13: {  	[smem:$0x3FB8] =	sst s0;
	s0 =	simm.s32 @!p1 $0x0  }
0x14: {  	s2 =	sld [smem:$0x3F9C];
	s0 =	simm.s32 @p1 $0x1  }
0x15: {  	[smem:$0x3FB9] =	sst s0;
	s0 =	simm.s32 @!p2 $0x0  }
0x16: {  	s3 =	sld [smem:$0x3FDB];
	s0 =	simm.s32 @p2 $0x1  }
0x17: {  	s4 =	simm.s32 $0x1BF5;
	[smem:$0x3FBB] =	sst s0  }
0x18: {  	s0 =	sld [smem:$0x3F9E];
	_ =	swait.ge [sflag:s4], $0x0  }
0x19: {  	s7 =	sld [smem:$0x3F9F]  }
0x1a: {  	s8 =	sadd.s32 $0xFFFFE003, lr  }
0x1b: {  	s9 =	sadd.s32 $0xFFFFFEF7, lr;
	s5 =	simm.s32 $0xFFFFFFFF;
	p2 =	slt.u32 s8, $0xFFFFF086  }
0x1c: {  	p1 =	slt.u32 s9, $0xF7A;
	s5 =	simm.s32 @!p2 $0x0  }
0x1d: {  	s5 =	simm.s32 @p1 $0x1;
	p0 =	seq.s32 s7, s2  }
0x1e: {  	s7 =	smul.u32 @!p0 $0xF7A, s2;
	p2 =	seq.s32 @!p0 s5, $0x0  }
0x1f: {  	s9 =	smul.u32 $0xF7A, s1;
	s8 =	simm.s32 @!p0 $0x1BF5;
	p2 =	por !p2, p0  }
0x20: {  	[sflag:s8] =	ssyncset.s32 @!p0 $0xFFFFF086;
	s6 =	sadd.s32 @!p0 s3, s7;
	s7 =	simm.s32 @!p0 $0x108  }
0x21: {  	s3 =	sadd.s32 s3, s9;
	s6 =	sadd.s32 @!p0 $0x88, s6;
	s7 =	simm.s32 @p2 $0x1082  }
0x22: {  	[simem:s7], [sflag:s8] =	dma.local @!p0 [hbm:s6], $0xF7A  }
0x23: {  	s9 =	sor.u32 $0xD0000000, s2;
	s6 =	simm.s32 $0x108;
	_ =	swait.ge @!p0 [sflag:s8], $0x0  }
0x24: {  	s3 =	sadd.s32 $0x88, s3;
	s6 =	simm.s32 @!p1 $0x1082;
	[sflag:s4] =	ssyncset.s32 $0xFFFFF086  }
0x25: {  	[simem:s6], [sflag:s4] =	dma.local [hbm:s3], $0xF7A  }
0x26: {  	[smem:$0x3F9F] =	sst s1;
	(tag) =	ssettag s2;
	_ =	strace s9  }
0x27: {  	s1 =	sld [smem:$0x3FAF]  }
0x28: {  	s2 =	sld [smem:$0x3FB0]  }
0x29: {  	s4 =	sld [smem:$0x3FB2]  }
0x2a: {  	p0 =	seq.s32 s5, $0x0;
	s5 =	sld [smem:$0x3FB3]  }
0x2b: {  	s6 =	sld [smem:$0x3FB4]  }
0x2c: {  	s7 =	sld [smem:$0x3FB5]  }
0x2d: {  	s3 =	simm.s32 $0x108;
	s8 =	sld [smem:$0x3FB6]  }
0x2e: {  	s3 =	simm.s32 @!p0 $0x1082;
	s9 =	sld [smem:$0x3FB7]  }
0x2f: {  	lr =	sadd.s32 s0, s3;
	s0 =	sld [smem:$0x3FAE]  }
0x30: {  	s3 =	sld [smem:$0x3FB1]  }
0x31: {  	[smem:$0x3FBA] =	sst s10  }
0x32: {  	s10 =	sld [smem:$0x3FB8];
	_ =	sdelay $0x3  }
0x33: {  	p0 =	seq.s32 s10, $0x1;
	s10 =	sld [smem:$0x3FBA];
	_ =	sdelay $0x3  }
0x34: {  	[smem:$0x3FBA] =	sst s10  }
0x35: {  	s10 =	sld [smem:$0x3FB9];
	_ =	sdelay $0x3  }
0x36: {  	p1 =	seq.s32 s10, $0x1;
	s10 =	sld [smem:$0x3FBA];
	_ =	sdelay $0x3  }
0x37: {  	[smem:$0x3FBA] =	sst s10  }
0x38: {  	s10 =	sld [smem:$0x3FBB]  }
0x39: {  	_ = 	snop;
	(pc) =	sbr.ind lr, $3  }
0x3a: {  	_ = 	snop  }
0x3b: {  	_ = 	snop  }
0x3c: {  	p2 =	seq.s32 s10, $0x1;
	s10 =	sld [smem:$0x3FBA]  }
0x3d: {  	_ =	shalt  }
0x3e: {  	_ =	shalt  }
0x3f: {  	_ =	shalt  }
0x40: {  	_ =	shalt  }
0x41: {  	_ =	shalt  }
0x42: {  	_ =	shalt  }
0x43: {  	_ =	shalt  }
0x44: {  	_ =	shalt  }
0x45: {  	_ =	shalt  }
0x46: {  	_ =	shalt  }
0x47: {  	_ =	shalt  }
0x48: {  	_ =	shalt  }
0x49: {  	_ =	shalt  }
0x4a: {  	_ =	shalt  }
0x4b: {  	_ =	shalt  }
0x4c: {  	_ =	shalt  }
0x4d: {  	_ =	shalt  }
0x4e: {  	_ =	shalt  }
0x4f: {  	_ =	shalt  }
0x50: {  	_ =	shalt  }
0x51: {  	_ =	shalt  }
0x52: {  	_ =	shalt  }
0x53: {  	_ =	shalt  }
0x54: {  	_ =	shalt  }
0x55: {  	_ =	shalt  }
0x56: {  	_ =	shalt  }
0x57: {  	_ =	shalt  }
0x58: {  	_ =	shalt  }
0x59: {  	_ =	shalt  }
0x5a: {  	_ =	shalt  }
0x5b: {  	_ =	shalt  }
0x5c: {  	_ =	shalt  }
0x5d: {  	_ =	shalt  }
0x5e: {  	_ =	shalt  }
0x5f: {  	_ =	shalt  }
0x60: {  	_ =	shalt  }
0x61: {  	_ =	shalt  }
0x62: {  	_ =	shalt  }
0x63: {  	_ =	shalt  }
0x64: {  	_ =	shalt  }
0x65: {  	_ =	shalt  }
0x66: {  	_ =	shalt  }
0x67: {  	_ =	shalt  }
0x68: {  	_ =	shalt  }
0x69: {  	_ =	shalt  }
0x6a: {  	_ =	shalt  }
0x6b: {  	_ =	shalt  }
0x6c: {  	_ =	shalt  }
0x6d: {  	_ =	shalt  }
0x6e: {  	_ =	shalt  }
0x6f: {  	_ =	shalt  }
0x70: {  	_ =	shalt  }
0x71: {  	_ =	shalt  }
0x72: {  	_ =	shalt  }
0x73: {  	_ =	shalt  }
0x74: {  	_ =	shalt  }
0x75: {  	_ =	shalt  }
0x76: {  	_ =	shalt  }
0x77: {  	_ =	shalt  }
0x78: {  	_ =	shalt  }
0x79: {  	_ =	shalt  }
0x7a: {  	_ =	shalt  }
0x7b: {  	_ =	shalt  }
0x7c: {  	_ =	shalt  }
0x7d: {  	_ =	shalt  }
0x7e: {  	_ =	shalt  }
0x7f: {  	_ =	shalt  }
0x80: {  	_ =	shalt  }
0x81: {  	_ =	shalt  }
0x82: {  	_ =	shalt  }
0x83: {  	_ =	shalt  }
0x84: {  	_ =	shalt  }
0x85: {  	_ =	shalt  }
0x86: {  	_ =	shalt  }
0x87: {  	_ =	shalt  }
.Lfunc_end0:
.L_simem_size_0:
called_computation_lowered:
.L_overlay_start_0:
0x88: {  	s2 =	sld [smem:$0x3FD9]  }
0x89: {  	s3 =	sld [smem:$0x3FFE];
	_ =	sdelay $0x1  }
0x8a: {  	s1 =	srdreg.scid  }
0x8b: {  	s0 =	sand.u32 $0x1, s1  }
0x8c: {  	s17 =	sshll.u32 s0, $0xA;
	s2 =	sadd.s32 s3, s2  }
0x8d: {  	s2 =	sadd.s32 s2, s17  }
0x8e: {  	[smem:$0x3FC6] =	sst s2  }
0x8f: {  	_ = 	snop  }
0x90: {  	s2 =	sld [smem:$0x3FC9]  }
0x91: {  	s18 =	sld [smem:$0x3FD0];
	(tm) =	ssettm $0x1  }
0x92: {  	s4 =	sld [smem:$0x3FFB];
	_ =	sdelay $0x3  }
0x93: {  	_ =	strace s4  }
0x94: {  	s4 =	sld [smem:$0x3FFC];
	_ =	sdelay $0x3  }
0x95: {  	_ =	strace s4  }
0x96: {  	s4 =	sld [smem:$0x3FFD];
	_ =	sdelay $0x3  }
0x97: {  	_ =	strace s4  }
0x98: {  	_ =	strace $0x8FFFFFFF  }
0x99: {  	s19 =	sld [smem:$0x3FDB];
	_ =	sdelay $0x1  }
0x9a: {  	s5 =	simm.s32 $_scs_section_size  }
0x9b: {  	s6 =	simm.s32 $_size__tile_overlayer_lowered;
	s7 =	simm.s32 $_tile_overlayer_lowered  }
0x9c: {  	s22 =	simm.s32 $0x1BFF;
	s21 =	sshll.u32 s7, $0x1;
	s4 =	sadd.s32 s5, s19  }
0x9d: {  	s8 =	simm.s32 $0x0;
	s20 =	sshll.u32 s6, $0x1;
	s6 =	sadd.s32 s21, s4  }
0x9e: {  	[timem:s8], [sflag:s22] =	dma.local [hbm:s6], s20  }
0x9f: {  	_ =	swait.ge [sflag:s22], s20  }
0xa0: {  	s5 =	ssub.s32 $0x0, s20;
	[sflag:s22] =	ssyncset.done $0x0  }
0xa1: {  	[sflag:s22] =	ssyncadd.s32 s5;
	_ =	sdelay $0x1  }
0xa2: {  	s23 =	simm.s32 $0x1B8B  }
0xa3: {  	_ =	swait.ge [sflag:s23], $0x1  }
0xa4: {  	[sflag:s23] =	ssyncset.done $0x0  }
0xa5: {  	s25 =	simm.s32 $0x1B8E;
	s24 =	sld [smem:$0x3FFE];
	[sflag:s23] =	ssyncadd.s32 $0xFFFFFFFF  }
0xa6: {  	s26 =	simm.s32 $execute0_lowered;
	[smem:$0x3FD2] =	sst s25  }
0xa7: {  	s6 =	sshll.u32 s26, $0x1;
	_ =	strace $0x80000046;
	[dreg:$0x1] =	wrdreg $0xFFFFFFFF  }
0xa8: {  	s28 =	simm.s32 $_size_execute0_lowered;
	s4 =	sadd.s32 s4, s6;
	[dreg:$0x0] =	wrdreg $0x0  }
0xa9: {  	s6 =	sshll.u32 s28, $0x1;
	[dreg:$0x2] =	wrdreg s4  }
0xaa: {  	[dreg:$0x3] =	wrdreg s6  }
0xab: {  	[dreg:$0x4] =	wrdreg $0xC0  }
0xac: {  	_ =	task [dreg:s8], $0x5FFFF  }
0xad: {  	[dreg:$0x1] =	wrdreg $0xFFFFFFFF  }
0xae: {  	[dreg:$0x0] =	wrdreg $0x60  }
0xaf: {  	[dreg:$0x2] =	wrdreg s2  }
0xb0: {  	[dreg:$0x3] =	wrdreg s24  }
0xb1: {  	[dreg:$0x4] =	wrdreg s18  }
0xb2: {  	[dreg:$0x5] =	wrdreg $0x0  }
0xb3: {  	[dreg:$0x6] =	wrdreg $0x9  }
0xb4: {  	_ =	task.clear_ibuf [dreg:s8], $0x7FFFF;
	_ =	strace $0x90000046  }
0xb5: {  	s29 =	simm.s32 $0x9;
	_ =	strace $0x80000048  }
0xb6: {  	_ =	swait.ge [sflag:s29], $0x1  }
0xb7: {  	[sflag:s29] =	ssyncadd.s32 $0xFFFFFFFF  }
0xb8: {  	_ =	strace $0x90000048  }
0xb9: {  	_ =	sfence  }
0xba: {  	s30 =	sld [smem:$0x0];
	_ =	sdelay $0x2  }
0xbb: {  	s31 =	sshll.u32 s1, $0xD;
	s1 =	sshrl.u32 s1, $0x2  }
0xbc: {  	s3 =	sand.u32 $0x4000, s31;
	s1 =	sadd.s32 s1, s30  }
0xbd: {  	s0 =	sor.u32 s3, s0;
	s1 =	sshll.u32 s1, $0x11  }
0xbe: {  	s0 =	sor.u32 s1, s0  }
0xbf: {  	s0 =	sadd.s32 $0x8F2B, s0  }
0xc0: {  	[sflag:s0] =	ssyncadd.remote.s32 $0x1  }
0xc1: {  	_ =	sfence.sel $0xFFFF  }
0xc2: {  	[dreg:$0x0] =	wrdreg $0xFFFFFFFF;
	(pc) =	sbr.abs _section_cstart, $3  }
0xc3: {  	[dreg:$0x1] =	wrdreg $0xFFFFFFFF  }
0xc4: {  	_ =	task.clear_ibuf [dreg:s8], $0x2FFFF;
	_ =	strace $0x9FFFFFFF  }
0xc5: {  	(tm) =	ssettm $0x7FFFFFFF  }
tec
execute0_lowered:
.L_overlay_start_1:
0x0: {  	(tag) =	ssettag $0x1  }
0x1: {  	s0 =	rddreg [dreg:$0x0]  }
0x2: {  	s1 =	rddreg [dreg:$0x1]  }
0x3: {  	s3 =	rddreg [dreg:$0x2]  }
0x4: {  	s4 =	rddreg [dreg:$0x3];
	s2 =	srdreg.scid  }
0x5: {  	s11 =	stileid.u32;
	s5 =	simm.s32 $0x0;
	s14 =	simm.s32 $0x13880  }
0x6: {  	s15 =	simm.s32 $0x3;
	s16 =	simm.s32 $0x14080;
	s17 =	simm.s32 $0x50  }
0x7: {  	s20 =	simm.s32 $0x1;
	s21 =	simm.s32 $0x2;
	s22 =	simm.s32 $0x0  }
0x8: {  	s2 =	sand.u32 $0x1, s2;
	s6 =	sshll.u32 s11, $0x1;
	s7 =	smul.u32 $0x7D000, s11  }
0x9: {  	[smem:$0x7FF] =	sst s5;
	s10 =	smul.u32 $0x3E80, s11;
	p0 =	sgt.u32 s11, $0x9  }
0xa: {  	s6 =	sor.u32 s2, s6;
	_ =	strace $0x80000047;
	s2 =	ssub.s32 $0x2, s2  }
0xb: {  	s6 =	smul.u32 $0x2710, s6;
	s8 =	sshrl.u32 s2, $0x1;
	s9 =	sshrl.u32 s7, $0x2  }
0xc: {  	s7 =	sadd.s32 $0x9E00, s1;
	s0 =	sadd.s32 s0, s10;
	s2 =	ssub.s32 s2, s8  }
0xd: {  	s13 =	sadd.s32 s9, s4;
	[dreg:$0x5] =	wrdreg s0;
	s0 =	sshll.u32 @!p0 s11, $0x6  }
0xe: {  	s31 =	sshrl.u32 s6, $0x3;
	s11 =	smax.u32 s2, $0x1;
	s12 =	sor.u32 @!p0 $0x1C03, s0  }
0xf: {  	v0 =	vlaneseq.u32;
	s13 =	sshrl.u32 @!p0 s13, $0x3;
	s9 =	sadd.s32 s7, s31;
	s10 =	sadd.s32 s1, s31  }
.LBB2_1:
0x10: {  	s0 =	rddreg [dreg:$0x5]  }
0x11: {  	[spmem:s13], [sflag:s12] =	dma.local @!p0 [hbm:s0], $0x3E80  }
0x12: {  	s0 =	simm.s32 @!p0 $0x3  }
0x13: {  	_ =	swait.ge @!p0 [sflag:s0], $0x3E80  }
0x14: {  	[sflag:s0] =	ssyncset.done @!p0 $0x0  }
0x15: {  	[sflag:s0] =	ssyncadd.s32 @!p0 $0xFFFFC180  }
0x16: {  	[tilespmem:s14], [sflag:$0x3] =	stream.linear.gather [hbm4b:s9+s5], $0x7D0, $0x38;
	[tilespmem:$0x1E980] =	vst v63  }
0x17: {  	_ =	swait.ge [sflag:s15], $0x7D0  }
0x18: {  	[sflag:s15] =	ssyncset.done $0x0  }
0x19: {  	[sflag:s15] =	ssyncadd.s32 $0xFFFFF830  }
0x1a: {  	[tilespmem:s16], [sflag:$0x3] =	stream.linear.gather [hbm4b:s10+s5], $0x7D0, $0x38;
	[tilespmem:$0x1E980] =	vst v63  }
0x1b: {  	_ =	swait.ge [sflag:s15], $0x7D0  }
0x1c: {  	[sflag:s15] =	ssyncset.done $0x0  }
0x1d: {  	[sflag:s15] =	ssyncadd.s32 $0xFFFFF830  }
0x1e: {  	s30 =	simm.s32 $0x14880;
	[bflag:$0x0] =	sbarrier.arrive $0xFFFF  }
0x1f: {  	[tilespmem:s30], [sflag:$0x1] =	stream.indirect.gather [spmem:s4], $0x80, s14, s17, $0xb8;
	[tilespmem:$0x1E980] =	vst v63  }
0x20: {  	s31 =	simm.s32 $0x19880;
	p1 =	por $0x0, $0x0;
	s24 =	simm.s32 $0x0  }
0x21: {  	[tilespmem:s31], [sflag:$0x1] =	stream.indirect.gather [spmem:s4], $0x80, s16, s17, $0xb8;
	[tilespmem:$0x1E980] =	vst v63  }
.LBB2_2:
0x22: {  	s23 =	sadd.s32 $0x1, s24  }
0x23: {  	s0 =	smul.u32 $0x29, s23;
	_ =	sdelay $0x1  }
0x24: {  	s0 =	sshrl.u32 s0, $0xA  }
0x25: {  	s2 =	sand.u32 $0x3F, s0  }
0x26: {  	s0 =	smul.u32 $0x19, s2;
	_ =	sdelay $0x1  }
0x27: {  	p2 =	seq.s32 s24, $0x7C;
	s0 =	ssub.s32 s23, s0  }
0x28: {  	s25 =	sand.u32 @!p2 $0xFF, s0  }
0x29: {  	p3 =	sne.s32 @!p2 s25, $0x0  }
0x2a: {  	_ =	swait.ge [sflag:s20], $0x2800;
	p3 =	por p2, p3  }
.Ltmp0:
0x2b: {  	[sflag:s20] =	ssyncset.done $0x0;
	(pc) =	sbr.rel @p3 .LBB2_4-.Ltmp0, $4  }
0x2c: {  	[sflag:s20] =	ssyncadd.s32 $0xFFFFD800  }
0x2d: {  	_ =	swait.ge [sflag:s20], $0x2800  }
0x2e: {  	[sflag:s20] =	ssyncset.done $0x0  }
0x2f: {  	[sflag:s20] =	ssyncadd.s32 $0xFFFFD800  }
0x30: {  	s2 =	smul.u32 $0x7D0, s2;
	_ =	sdelay $0x1  }
0x31: {  	s2 =	sadd.s32 s6, s2  }
0x32: {  	s2 =	sshrl.u32 s2, $0x3  }
0x33: {  	s25 =	sadd.s32 s7, s2  }
0x34: {  	[tilespmem:s14], [sflag:$0x3] =	stream.linear.gather [hbm4b:s25+s5], $0x7D0, $0x38;
	[tilespmem:$0x1E980] =	vst v63  }
0x35: {  	_ =	swait.ge [sflag:s15], $0x7D0  }
0x36: {  	[sflag:s15] =	ssyncset.done $0x0  }
0x37: {  	s2 =	sadd.s32 s1, s2;
	[sflag:s15] =	ssyncadd.s32 $0xFFFFF830  }
0x38: {  	[tilespmem:s16], [sflag:$0x3] =	stream.linear.gather [hbm4b:s2+s5], $0x7D0, $0x38;
	[tilespmem:$0x1E980] =	vst v63  }
0x39: {  	_ =	swait.ge [sflag:s15], $0x7D0  }
0x3a: {  	[sflag:s15] =	ssyncset.done $0x0  }
0x3b: {  	[sflag:s15] =	ssyncadd.s32 $0xFFFFF830  }
.LBB2_5:
0x3c: {  	s2 =	sand.u32 $0x1, s23  }
0x3d: {  	s0 =	sand.u32 $0xFF, s0;
	p2 =	seq.s32 s2, $0x1;
	s2 =	simm.s32 $0x2800  }
0x3e: {  	s0 =	smul.u32 $0x50, s0;
	s2 =	simm.s32 @!p2 $0x0;
	p2 =	slt.u32 s24, $0x2  }
.Ltmp1:
0x3f: {  	_ = 	snop;
	(pc) =	sbr.rel @p2 .LBB2_7-.Ltmp1, $4  }
.Ltmp2:
0x40: {  	s25 =	sadd.s32 $0x14880, s2;
	s26 =	sadd.s32 $0x13880, s0;
	(pc) =	sbr.rel @!p2 .LBB2_6-.Ltmp2, $4  }
0x41: {  	[tilespmem:s25], [sflag:$0x1] =	stream.indirect.gather [spmem:s4], $0x80, s26, s17, $0xb8;
	[tilespmem:$0x1E980] =	vst v63  }
0x42: {  	s2 =	sadd.s32 $0x19880, s2;
	s0 =	sadd.s32 $0x14080, s0  }
0x43: {  	[tilespmem:s2], [sflag:$0x1] =	stream.indirect.gather [spmem:s4], $0x80, s0, s17, $0xb8;
	[tilespmem:$0x1E980] =	vst v63  }
0x44: {  	_ = 	snop  }
.LBB2_4:
.Ltmp3:
0x45: {  	(pc) =	sbr.rel @!p2 .LBB2_5-.Ltmp3, $1  }
0x46: {  	_ =	sdelay $0x3  }
.LBB2_6:
0x47: {  	_ =	swait.ge [sflag:s21], $0x50  }
0x48: {  	[sflag:s21] =	ssyncset.done $0x0  }
0x49: {  	[sflag:s21] =	ssyncadd.s32 $0xFFFFFFB0  }
.LBB2_7:
0x4a: {  	s0 =	simm.s32 $0x1  }
0x4b: {  	s0 =	simm.s32 @!p1 $0x0  }
0x4c: {  	s2 =	sand.u32 $0x1, s24;
	s0 =	smul.u32 $0xA000, s0  }
0x4d: {  	s2 =	sshll.u32 s2, $0x7  }
0x4e: {  	s25 =	sadd.s32 $0x1E880, s2;
	s26 =	sshrl.u32 s0, $0x2  }
0x4f: {  	s29 =	simm.s32 $0x0;
	v1 =	vmov s25;
	s0 =	sadd.s32 $0x14980, s26;
	s28 =	sadd.s32 $0x19980, s26  }
.LBB2_8:
0x50: {  	v4 =	vld [tilespmem:s0+$0x70]  }
0x51: {  	v22 =	vld [tilespmem:s28+$0x70]  }
0x52: {  	v13 =	vld [tilespmem:s0+$0xFFFFFFF0]  }
0x53: {  	v25 =	vld [tilespmem:s28+$0xFFFFFFF0]  }
0x54: {  	v2 =	vld [tilespmem:s0+$0xE0]  }
0x55: {  	v3 =	vld [tilespmem:s0+$0xFFFFFF70]  }
0x56: {  	v31 =	vld [tilespmem:s0+$0x60]  }
0x57: {  	v46 =	vld [tilespmem:s28+$0x60]  }
0x58: {  	v47 =	vld [tilespmem:s0+$0xFFFFFFE0]  }
0x59: {  	v48 =	vld [tilespmem:s28+$0xFFFFFFE0]  }
0x5a: {  	v5 =	vld [tilespmem:s0+$0xD0]  }
0x5b: {  	v6 =	vld [tilespmem:s0+$0xFFFFFF60]  }
0x5c: {  	v16 =	vld [tilespmem:s0+$0x50]  }
0x5d: {  	v19 =	vld [tilespmem:s28+$0x50]  }
0x5e: {  	v14 =	vld [tilespmem:s0+$0xFFFFFFD0]  }
0x5f: {  	v15 =	vld [tilespmem:s28+$0xFFFFFFD0]  }
0x60: {  	v7 =	vld [tilespmem:s0+$0xC0]  }
0x61: {  	v8 =	vld [tilespmem:s0+$0xFFFFFF50]  }
0x62: {  	v18 =	vld [tilespmem:s0+$0x40]  }
0x63: {  	v20 =	vld [tilespmem:s28+$0x40]  }
0x64: {  	v11 =	vld [tilespmem:s0+$0xFFFFFFC0]  }
0x65: {  	v17 =	vld [tilespmem:s28+$0xFFFFFFC0]  }
0x66: {  	v9 =	vld [tilespmem:s0+$0xB0]  }
0x67: {  	v10 =	vld [tilespmem:s0+$0xFFFFFF40]  }
0x68: {  	v29 =	vld [tilespmem:s0+$0x30]  }
0x69: {  	v30 =	vld [tilespmem:s28+$0x30]  }
0x6a: {  	v23 =	vld [tilespmem:s0+$0xFFFFFFB0]  }
0x6b: {  	v24 =	vld [tilespmem:s28+$0xFFFFFFB0]  }
0x6c: {  	v12 =	vld [tilespmem:s0+$0xA0]  }
0x6d: {  	v21 =	vld [tilespmem:s0+$0xFFFFFF30]  }
0x6e: {  	v34 =	vld [tilespmem:s0+$0x20]  }
0x6f: {  	v35 =	vld [tilespmem:s28+$0x20]  }
0x70: {  	v32 =	vld [tilespmem:s0+$0xFFFFFFA0]  }
0x71: {  	v33 =	vld [tilespmem:s28+$0xFFFFFFA0]  }
0x72: {  	v26 =	vld [tilespmem:s0+$0x80]  }
0x73: {  	v27 =	vld [tilespmem:s28+$0x80]  }
0x74: {  	v28 =	vld [tilespmem:s0+$0x90]  }
0x75: {  	v43 =	vld [tilespmem:s0+$0x0]  }
0x76: {  	v44 =	vld [tilespmem:s28+$0x0]  }
0x77: {  	v45 =	vld [tilespmem:s0+$0x10]  }
0x78: {  	v49 =	vld [tilespmem:s28+$0x10]  }
0x79: {  	v39 =	vld [tilespmem:s0+$0xFFFFFF80]  }
0x7a: {  	v40 =	vld [tilespmem:s28+$0xFFFFFF80]  }
0x7b: {  	v41 =	vld [tilespmem:s0+$0xFFFFFF90]  }
0x7c: {  	v42 =	vld [tilespmem:s28+$0xFFFFFF90]  }
0x7d: {  	v36 =	vld [tilespmem:s0+$0xFFFFFF00]  }
0x7e: {  	v37 =	vld [tilespmem:s28+$0xFFFFFF00];
	v13 =	vmul.f32 v25, v13;
	v22 =	vmul.f32 v22, v4  }
0x7f: {  	v38 =	vld [tilespmem:s0+$0xFFFFFF10];
	s2 =	simm.s32 $0x4;
	v44 =	vmul.f32 v44, v43;
	v45 =	vmul.f32 v49, v45  }
0x80: {  	s26 =	smov.u32 s0;
	s31 =	smov.u32 s28;
	s30 =	simm.s32 $0x0;
	v4 =	vimm.f32 $0.0e+00;
	v43 =	vld [tilespmem:s28+$0xFFFFFF10];
	v25 =	vmul.f32 v48, v47;
	v31 =	vmul.f32 v46, v31  }
.LBB2_9:
0x81: {  	p2 =	slt.u32 s2, $0xC;
	v46 =	vld [tilespmem:s26+$0xFFFFFF20];
	v44 =	vadd.f32 v45, v44;
	v34 =	vmul.f32 v35, v34;
	v16 =	vmul.f32 v19, v16  }
0x82: {  	v35 =	vmul.f32 v40, v39;
	v39 =	vmul.f32 v42, v41;
	v19 =	vld [tilespmem:s31+$0xFFFFFF20]  }
0x83: {  	v14 =	vmul.f32 v15, v14;
	v29 =	vmul.f32 v30, v29;
	v15 =	vadd.f32 v34, v44;
	v30 =	vld [tilespmem:s31+$0x90]  }
0x84: {  	v32 =	vmul.f32 v33, v32;
	v18 =	vmul.f32 v20, v18;
	v35 =	vadd.f32 v39, v35;
	v34 =	vld [tilespmem:s31+$0xFFFFFF30]  }
0x85: {  	v20 =	vmul.f32 v37, v36;
	v33 =	vmul.f32 v43, v38;
	v15 =	vadd.f32 v29, v15;
	v29 =	vld [tilespmem:s31+$0xA0]  }
0x86: {  	v23 =	vmul.f32 v24, v23;
	v11 =	vmul.f32 v17, v11;
	v32 =	vadd.f32 v32, v35;
	v36 =	vld [tilespmem:s31+$0xFFFFFF40]  }
0x87: {  	v17 =	vadd.f32 v33, v20;
	v19 =	vmul.f32 v19, v46;
	v15 =	vadd.f32 v18, v15;
	v18 =	vld [tilespmem:s31+$0xB0]  }
0x88: {  	v24 =	vmul.f32 v27, v26;
	v23 =	vadd.f32 v23, v32;
	v20 =	vld [tilespmem:s31+$0xFFFFFF50];
	v26 =	vmul.f32 v30, v28  }
0x89: {  	v17 =	vadd.f32 v19, v17;
	v19 =	vmul.f32 v34, v21;
	v15 =	vadd.f32 v16, v15;
	v16 =	vld [tilespmem:s31+$0xC0]  }
0x8a: {  	v11 =	vadd.f32 v11, v23;
	v21 =	vld [tilespmem:s31+$0xFFFFFF60];
	v23 =	vadd.f32 v26, v24;
	v12 =	vmul.f32 v29, v12  }
0x8b: {  	v17 =	vadd.f32 v19, v17;
	v10 =	vmul.f32 v36, v10;
	v15 =	vadd.f32 v31, v15;
	v19 =	vld [tilespmem:s31+$0xD0]  }
0x8c: {  	v11 =	vadd.f32 v14, v11;
	v24 =	vld [tilespmem:s31+$0xFFFFFF70];
	v12 =	vadd.f32 v12, v23;
	v9 =	vmul.f32 v18, v9  }
0x8d: {  	v10 =	vadd.f32 v10, v17;
	v8 =	vmul.f32 v20, v8;
	v14 =	vadd.f32 v22, v15;
	v15 =	vld [tilespmem:s31+$0xE0]  }
0x8e: {  	v11 =	vadd.f32 v25, v11;
	v9 =	vadd.f32 v9, v12;
	v7 =	vmul.f32 v16, v7;
	v12 =	vld [tilespmem:s26+$0xF0]  }
0x8f: {  	s26 =	sadd.s32 $0x200, s26;
	v8 =	vadd.f32 v8, v10;
	v6 =	vmul.f32 v21, v6;
	v10 =	vld [tilespmem:s31+$0xF0];
	(xrf2) =	vadd.scan.msk.f32 $0xffff, v14  }
0x90: {  	v11 =	vadd.f32 v13, v11;
	s31 =	sadd.s32 $0x200, s31;
	v22 =	vld [tilespmem:s26+$0x70];
	v7 =	vadd.f32 v7, v9;
	v5 =	vmul.f32 v19, v5  }
0x91: {  	v25 =	vld [tilespmem:s31+$0x70];
	v6 =	vadd.f32 v6, v8;
	v3 =	vmul.f32 v24, v3  }
0x92: {  	v13 =	vld [tilespmem:s26+$0xFFFFFFF0];
	v5 =	vadd.f32 v5, v7;
	v7 =	vmul.f32 v15, v2;
	(xrf2) =	vadd.scan.msk.f32 $0xffff, v11  }
0x93: {  	v31 =	vld [tilespmem:s31+$0xFFFFFFF0];
	v6 =	vadd.f32 v3, v6  }
0x94: {  	v2 =	vld [tilespmem:s26+$0xE0];
	v5 =	vadd.f32 v7, v5;
	v7 =	vmul.f32 v10, v12  }
0x95: {  	v3 =	vld [tilespmem:s26+$0xFFFFFF70];
	(xrf2) =	vadd.scan.msk.f32 $0xffff, v6  }
0x96: {  	v46 =	vld [tilespmem:s26+$0x60];
	v5 =	vadd.f32 v7, v5  }
0x97: {  	v47 =	vld [tilespmem:s31+$0x60]  }
0x98: {  	v48 =	vld [tilespmem:s26+$0xFFFFFFE0];
	(xrf2) =	vadd.scan.msk.f32 $0xffff, v5  }
0x99: {  	v49 =	vld [tilespmem:s31+$0xFFFFFFE0];
	v9, _, _ =	vpop (xrf2)  }
0x9a: {  	v5 =	vld [tilespmem:s26+$0xD0]  }
0x9b: {  	v6 =	vld [tilespmem:s26+$0xFFFFFF60]  }
0x9c: {  	v16 =	vld [tilespmem:s26+$0x50];
	v10, _, _ =	vpop (xrf2)  }
0x9d: {  	v19 =	vld [tilespmem:s31+$0x50]  }
0x9e: {  	v14 =	vld [tilespmem:s26+$0xFFFFFFD0]  }
0x9f: {  	s18 =	sadd.s32 $0x2, s30;
	s19 =	sadd.s32 $0x3, s30;
	v11 =	vmov s30;
	v15 =	vld [tilespmem:s31+$0xFFFFFFD0];
	v8, _, _ =	vpop (xrf2)  }
0xa0: {  	s8 =	sadd.s32 $0x1, s30;
	v17 =	vmov s18;
	v21 =	vmov s19;
	s30 =	smov.u32 s2;
	v7 =	vld [tilespmem:s26+$0xC0];
	v12 =	vbroadcast v8, $0xF  }
0xa1: {  	v20 =	vmov s8;
	vm0 =	veq.s32 v11, v0;
	v10 =	vbroadcast v10, $0xF;
	v8 =	vld [tilespmem:s26+$0xFFFFFF50]  }
0xa2: {  	v9 =	vbroadcast v9, $0xF;
	v18 =	vld [tilespmem:s26+$0x40];
	v4 =	vsel vm0, v12, v4;
	vm0 =	veq.s32 v20, v0;
	v11, _, _ =	vpop (xrf2)  }
0xa3: {  	v20 =	vld [tilespmem:s31+$0x40];
	v4 =	vsel vm0, v10, v4;
	vm0 =	veq.s32 v17, v0;
	v10 =	vbroadcast v11, $0xF  }
0xa4: {  	v11 =	vld [tilespmem:s26+$0xFFFFFFC0];
	v4 =	vsel vm0, v9, v4;
	vm0 =	veq.s32 v21, v0  }
0xa5: {  	v17 =	vld [tilespmem:s31+$0xFFFFFFC0];
	v4 =	vsel vm0, v10, v4  }
0xa6: {  	v9 =	vld [tilespmem:s26+$0xB0]  }
0xa7: {  	v10 =	vld [tilespmem:s26+$0xFFFFFF40]  }
0xa8: {  	v29 =	vld [tilespmem:s26+$0x30]  }
0xa9: {  	v30 =	vld [tilespmem:s31+$0x30]  }
0xaa: {  	v23 =	vld [tilespmem:s26+$0xFFFFFFB0]  }
0xab: {  	v24 =	vld [tilespmem:s31+$0xFFFFFFB0]  }
0xac: {  	v12 =	vld [tilespmem:s26+$0xA0]  }
0xad: {  	v21 =	vld [tilespmem:s26+$0xFFFFFF30]  }
0xae: {  	v34 =	vld [tilespmem:s26+$0x20]  }
0xaf: {  	v35 =	vld [tilespmem:s31+$0x20]  }
0xb0: {  	v32 =	vld [tilespmem:s26+$0xFFFFFFA0]  }
0xb1: {  	v33 =	vld [tilespmem:s31+$0xFFFFFFA0]  }
0xb2: {  	v26 =	vld [tilespmem:s26+$0x80]  }
0xb3: {  	v27 =	vld [tilespmem:s31+$0x80]  }
0xb4: {  	v28 =	vld [tilespmem:s26+$0x90]  }
0xb5: {  	v43 =	vld [tilespmem:s26+$0x0]  }
0xb6: {  	v44 =	vld [tilespmem:s31+$0x0]  }
0xb7: {  	v45 =	vld [tilespmem:s26+$0x10]  }
0xb8: {  	v50 =	vld [tilespmem:s31+$0x10]  }
0xb9: {  	v39 =	vld [tilespmem:s26+$0xFFFFFF80]  }
0xba: {  	v40 =	vld [tilespmem:s31+$0xFFFFFF80]  }
0xbb: {  	v41 =	vld [tilespmem:s26+$0xFFFFFF90]  }
.Ltmp4:
0xbc: {  	v42 =	vld [tilespmem:s31+$0xFFFFFF90];
	(pc) =	sbr.rel @p2 .LBB2_9-.Ltmp4, $4  }
0xbd: {  	v36 =	vld [tilespmem:s26+$0xFFFFFF00]  }
0xbe: {  	v22 =	vmul.f32 v25, v22;
	v13 =	vmul.f32 v31, v13;
	v37 =	vld [tilespmem:s31+$0xFFFFFF00]  }
0xbf: {  	v44 =	vmul.f32 v44, v43;
	v45 =	vmul.f32 v50, v45;
	v38 =	vld [tilespmem:s26+$0xFFFFFF10]  }
0xc0: {  	s2 =	sadd.s32 $0x4, s2;
	v31 =	vmul.f32 v47, v46;
	v25 =	vmul.f32 v49, v48;
	v43 =	vld [tilespmem:s31+$0xFFFFFF10]  }
0xc1: {  	v46 =	vld [tilespmem:s26+$0xFFFFFF20];
	v34 =	vmul.f32 v35, v34;
	v16 =	vmul.f32 v19, v16  }
0xc2: {  	v54 =	vld [tilespmem:s31+$0xFFFFFF20];
	v55 =	vmul.f32 v40, v39;
	v56 =	vmul.f32 v42, v41  }
0xc3: {  	v57 =	vld [tilespmem:s31+$0x90];
	v14 =	vmul.f32 v15, v14;
	v29 =	vmul.f32 v30, v29  }
0xc4: {  	v59 =	vld [tilespmem:s31+$0xFFFFFF30];
	v32 =	vmul.f32 v33, v32;
	v18 =	vmul.f32 v20, v18  }
0xc5: {  	v44 =	vadd.f32 v45, v44;
	v63 =	vld [tilespmem:s31+$0xA0];
	v61 =	vmul.f32 v37, v36;
	v62 =	vmul.f32 v43, v38  }
0xc6: {  	v23 =	vmul.f32 v24, v23;
	v26 =	vmul.f32 v27, v26;
	v60 =	vadd.f32 v56, v55;
	v38 =	vld [tilespmem:s31+$0xFFFFFF40]  }
0xc7: {  	v41 =	vld [tilespmem:s31+$0xB0];
	v58 =	vadd.f32 v34, v44;
	v19 =	vmul.f32 v54, v46;
	v39 =	vadd.f32 v62, v61  }
0xc8: {  	v42 =	vld [tilespmem:s31+$0xFFFFFF50];
	v11 =	vmul.f32 v17, v11;
	v32 =	vadd.f32 v32, v60;
	v43 =	vmul.f32 v57, v28  }
0xc9: {  	v15 =	vadd.f32 v29, v58;
	v45 =	vmul.f32 v59, v21;
	v46 =	vld [tilespmem:s31+$0xC0];
	v44 =	vadd.f32 v19, v39  }
0xca: {  	v47 =	vld [tilespmem:s31+$0xFFFFFF60];
	v12 =	vmul.f32 v63, v12;
	v23 =	vadd.f32 v23, v32;
	v26 =	vadd.f32 v43, v26  }
0xcb: {  	v48 =	vld [tilespmem:s31+$0xD0];
	v15 =	vadd.f32 v18, v15;
	v10 =	vmul.f32 v38, v10;
	v17 =	vadd.f32 v45, v44  }
0xcc: {  	v49 =	vld [tilespmem:s31+$0xFFFFFF70];
	v9 =	vmul.f32 v41, v9;
	v11 =	vadd.f32 v11, v23;
	v12 =	vadd.f32 v12, v26  }
0xcd: {  	v50 =	vld [tilespmem:s31+$0xE0];
	v8 =	vmul.f32 v42, v8;
	v15 =	vadd.f32 v16, v15;
	v10 =	vadd.f32 v10, v17  }
0xce: {  	v51 =	vld [tilespmem:s26+$0xF0];
	v11 =	vadd.f32 v14, v11;
	v7 =	vmul.f32 v46, v7;
	v9 =	vadd.f32 v9, v12  }
0xcf: {  	v53 =	vld [tilespmem:s31+$0xF0];
	v6 =	vmul.f32 v47, v6;
	v52 =	vadd.f32 v31, v15;
	v8 =	vadd.f32 v8, v10  }
0xd0: {  	v5 =	vmul.f32 v48, v5;
	v11 =	vadd.f32 v25, v11;
	v7 =	vadd.f32 v7, v9  }
0xd1: {  	v3 =	vmul.f32 v49, v3;
	v54 =	vadd.f32 v22, v52;
	v6 =	vadd.f32 v6, v8  }
0xd2: {  	v2 =	vmul.f32 v50, v2;
	v55 =	vadd.f32 v13, v11;
	v5 =	vadd.f32 v5, v7  }
0xd3: {  	(xrf2) =	vadd.scan.msk.f32 $0xffff, v54;
	v3 =	vadd.f32 v3, v6  }
0xd4: {  	v56 =	vmul.f32 v53, v51;
	(xrf2) =	vadd.scan.msk.f32 $0xffff, v55;
	v2 =	vadd.f32 v2, v5  }
0xd5: {  	(xrf2) =	vadd.scan.msk.f32 $0xffff, v3  }
0xd6: {  	v2 =	vadd.f32 v56, v2;
	_ =	sdelay $0x1  }
0xd7: {  	(xrf2) =	vadd.scan.msk.f32 $0xffff, v2;
	_ =	sdelay $0x4  }
0xd8: {  	v2, _, _ =	vpop (xrf2)  }
0xd9: {  	s8 =	sadd.s32 $0x3, s30;
	v3, _, _ =	vpop (xrf2)  }
0xda: {  	s2 =	sadd.s32 $0x2, s30;
	v60 =	vmov s8;
	v58, _, _ =	vpop (xrf2)  }
0xdb: {  	s18 =	sadd.s32 $0x1, s30;
	v57 =	vmov s30;
	v59 =	vmov s2;
	v6 =	vbroadcast v58, $0xF  }
0xdc: {  	vm0 =	veq.s32 v57, v0;
	v61 =	vmov s18;
	v3 =	vbroadcast v3, $0xF  }
0xdd: {  	vm13 =	veq.s32 v61, v0;
	v2 =	vbroadcast v2, $0xF;
	v62, _, _ =	vpop (xrf2);
	v4 =	vsel vm0, v6, v4  }
0xde: {  	vm14 =	veq.s32 v59, v0;
	v63 =	vbroadcast v62, $0xF;
	v3 =	vsel vm13, v3, v4  }
0xdf: {  	vm15 =	veq.s32 v60, v0;
	v2 =	vsel vm14, v2, v3  }
0xe0: {  	v2 =	vsel vm15, v63, v2  }
0xe1: {  	v2 =	vsub.f32 $0.0e+00, v2;
	_ =	sdelay $0x1  }
0xe2: {  	v2 =	vmul.f32 $1.442695020e+00, v2;
	_ =	sdelay $0x1  }
0xe3: {  	(erf) = vpow2.f32 v2;
	_ =	sdelay $0x8  }
0xe4: {  	v2 =	vpop (erf)  }
0xe5: {  	v2 =	vadd.f32 $1.000000000e+00, v2;
	_ =	sdelay $0x1  }
0xe6: {  	(erf) = vrcp.f32 v2;
	_ =	sdelay $0x3  }
0xe7: {  	s31 =	sshll.u32 s29, $0x4;
	s29 =	sadd.s32 $0x1, s29  }
0xe8: {  	p2 =	sne.s32 s29, $0x5  }
.Ltmp5:
0xe9: {  	_ = 	snop;
	(pc) =	sbr.rel @p2 .LBB2_8-.Ltmp5, $3  }
0xea: {  	_ =	sdelay $0x1  }
0xeb: {  	s2 =	sand.u32 $0x3FFFFFF0, s31;
	v2 =	vpop (erf)  }
0xec: {  	s0 =	sadd.s32 $0x800, s0;
	s28 =	sadd.s32 $0x800, s28;
	[tilespmem:v1+s2+$0x0 ss:$0x1] =	vst.idx.msk $0xffff, v2  }
0xed: {  	s0 =	smul.u32 $0x50, s24;
	p2 =	sne.s32 s23, $0x7D  }
.Ltmp6:
0xee: {  	_ = 	snop;
	(pc) =	sbr.rel @p2 .LBB2_2-.Ltmp6, $4  }
0xef: {  	s0 =	sadd.s32 s6, s0  }
0xf0: {  	s0 =	sshrl.u32 s0, $0x3  }
0xf1: {  	p1 =	por !p1, !p1;
	s24 =	smov.u32 s23;
	s0 =	sadd.s32 s3, s0  }
0xf2: {  	[hbm4b:s0+s5] =	stream.linear.scatter [tilespmem:s25], [sflag:$0x2], $0x50, $0x38;
	[tilespmem:$0x1E980] =	vst v63  }
0xf3: {  	s22 =	sadd.s32 $0x1, s22  }
0xf4: {  	_ =	swait.ge [sflag:s21], $0x50;
	p1 =	sne.s32 s22, s11  }
.Ltmp7:
0xf5: {  	[sflag:s21] =	ssyncset.done $0x0;
	(pc) =	sbr.rel @p1 .LBB2_1-.Ltmp7, $4  }
0xf6: {  	[sflag:s21] =	ssyncadd.s32 $0xFFFFFFB0  }
0xf7: {  	_ =	swait.ge [sflag:s21], $0x50  }
0xf8: {  	[sflag:s21] =	ssyncset.done $0x0  }
0xf9: {  	[sflag:s21] =	ssyncadd.s32 $0xFFFFFFB0  }
0xfa: {  	_ =	sfence.sel $0x180000  }
0xfb: {  	[bflag:$0x0] =	sbarrier.arrive $0xFFFF  }
0xfc: {  	_ =	strace $0x90000047  }
0xfd: {  	s0 =	stileid.u32;
	[bflag:$0x2] =	sbarrier.arrive $0xFFFF  }
0xfe: {  	p0 =	sne.s32 s0, $0x0;
	s0 =	rddreg [dreg:$0x4]  }
0xff: {  	s0 =	sadd.s32 @!p0 $0x100000, s0  }
0x100: {  	[sflag:s0] =	ssyncadd.tile.s32 @!p0 $0x1;
	_ =	shalt  }
.Lfunc_end2:
_tile_overlayer_lowered:
.L_overlay_start_2:
0x101: {  	(tag) =	ssettag $0x2  }
0x102: {  	s0 =	rddreg [dreg:$0x0];
	s2 =	stileid.u32  }
0x103: {  	s1 =	rddreg [dreg:$0x1];
	p0 =	sne.s32 s2, $0x0  }
0x104: {  	s3 =	rddreg [dreg:$0x2];
	[bflag:$0x3] =	sbarrier.arrive $0xFFFF;
	s2 =	simm.s32 @!p0 $0x1C03  }
0x105: {  	[timem:s3], [sflag:s2] =	dma.local @!p0 [hbm:s0], s1  }
0x106: {  	s0 =	simm.s32 @!p0 $0x3  }
0x107: {  	_ =	swait.ge @!p0 [sflag:s0], s1  }
0x108: {  	s1 =	ssub.s32 @!p0 $0x0, s1;
	[sflag:s0] =	ssyncset.done @!p0 $0x0  }
0x109: {  	[sflag:s0] =	ssyncadd.s32 @!p0 s1  }
0x10a: {  	[bflag:$0x3] =	sbarrier.arrive $0xFFFF  }
0x10b: {  	_ =	shalt  }

</sc_bundles>
